<compile_context>
chip_gen: v7x
topology: tpu7x:2x2x1
jax: 0.10.2.dev20260603
libtpu: 0.0.44.dev20260713+nightly
codegen_flags: <defaults>
</compile_context>

<pallas_src>
import functools

import jax
import jax.numpy as jnp
from jax import lax
from jax.experimental import pallas as pl
from jax.experimental.pallas import tpu as pltpu
from jax.experimental.pallas import tpu_sc as plsc

WORD_DIM = 64
INPUT_DIM = 128
BATCH = 16384
VOCAB = 1000000

NC = 2
NS = 16
NW = NC * NS
PER = BATCH // NW
GRP = 16

_sc_mesh = plsc.VectorSubcoreMesh(core_axis_name="c", subcore_axis_name="s")


@functools.partial(
    pl.kernel,
    mesh=_sc_mesh,
    out_type=jax.ShapeDtypeStruct((BATCH, 2 * WORD_DIM), jnp.float32),
    scratch_types=(
        [pltpu.VMEM((PER,), jnp.int32)]
        + [pltpu.VMEM((GRP, 2 * WORD_DIM), jnp.float32)] * 4
        + [pltpu.SemaphoreType.DMA] * 8
    ),
)
def _gather_sc(idx_hbm, table2_hbm, out_hbm, my_idx, *bufs):
    stages = bufs[:4]
    sem_g = bufs[4:8]
    sem_p = bufs[8:12]
    NBUF = 4
    wid = lax.axis_index("s") * NC + lax.axis_index("c")
    row0 = wid * PER
    pltpu.sync_copy(idx_hbm.at[pl.ds(row0, PER)], my_idx)

    n = PER // GRP

    def start_gather(g):
        idxv = my_idx[pl.ds(g * GRP, GRP)] >> 1
        return pltpu.async_copy(
            table2_hbm.at[plsc.Indices(idxv)], stages[g % NBUF],
            sem_g[g % NBUF],
        )

    gh = [None] * n
    ph = [None] * n
    for g in range(min(NBUF - 1, n)):
        gh[g] = start_gather(g)
    for g in range(n):
        nxt = g + NBUF - 1
        if nxt < n:
            if ph[nxt - NBUF] is not None:
                ph[nxt - NBUF].wait()
            gh[nxt] = start_gather(nxt)
        gh[g].wait()
        ph[g] = pltpu.async_copy(
            stages[g % NBUF], out_hbm.at[pl.ds(row0 + g * GRP, GRP)],
            sem_p[g % NBUF],
        )
    for g in range(max(0, n - NBUF), n):
        if ph[g] is not None:
            ph[g].wait()


_BLK = 2048


def _proj_body(i_ref, g_ref, w_ref, b_ref, o_ref):
    pair = g_ref[...]
    odd = (i_ref[...] & 1) == 1
    x = jnp.where(odd, pair[:, WORD_DIM:], pair[:, :WORD_DIM])
    acc = jnp.dot(x, w_ref[...], preferred_element_type=jnp.float32)
    o_ref[...] = jnp.tanh(acc + b_ref[...])


def _proj_tc(idx, g, W, b):
    return pl.pallas_call(
        _proj_body,
        grid=(BATCH // _BLK,),
        in_specs=[
            pl.BlockSpec((_BLK, 1), lambda i: (i, 0)),
            pl.BlockSpec((_BLK, 2 * WORD_DIM), lambda i: (i, 0)),
            pl.BlockSpec((WORD_DIM, INPUT_DIM), lambda i: (0, 0)),
            pl.BlockSpec((1, INPUT_DIM), lambda i: (0, 0)),
        ],
        out_specs=pl.BlockSpec((_BLK, INPUT_DIM), lambda i: (i, 0)),
        out_shape=jax.ShapeDtypeStruct((BATCH, INPUT_DIM), jnp.float32),
    )(idx, g, W, b.reshape(1, INPUT_DIM))


def kernel(word_indices, word_table, W, b):
    idx = word_indices.astype(jnp.int32)
    table2 = word_table.reshape(VOCAB // 2, 2 * WORD_DIM)
    g = _gather_sc(idx, table2)
    return _proj_tc(idx.reshape(BATCH, 1), g, W, b)

# --- scband reference (transcript-rebuilt; emitter-appended) ---
"""Pipeline reference for scband-token-representation-41686952575123 (READ-ONLY COPY).

The authoritative reference and input builder live on the scoring server;
editing this copy changes nothing except your own understanding.
"""

import jax, jax.numpy as jnp
import numpy as np

VOCAB = 1000000
WORD_DIM = 64
INPUT_DIM = 128
BATCH = 16384

def setup_inputs(seed: int = 0) -> dict:
    key = jax.random.key(seed)
    k_idx, k_tab, k_w, k_b = jax.random.split(key, 4)
    word_indices = jax.random.randint(k_idx, (BATCH,), 0, VOCAB, dtype=jnp.int64 if jax.config.jax_enable_x64 else jnp.int32)
    word_table = jax.random.normal(k_tab, (VOCAB, WORD_DIM), dtype=jnp.float32) * 0.02
    W = jax.random.normal(k_w, (WORD_DIM, INPUT_DIM), dtype=jnp.float32) * (1.0 / np.sqrt(WORD_DIM))
    b = jax.random.normal(k_b, (INPUT_DIM,), dtype=jnp.float32) * 0.01
    return {"word_indices": word_indices, "word_table": word_table, "W": W, "b": b}

def reference(word_indices, word_table, W, b):
    # word embedding lookup (nn.Embedding): gather rows from table
    word_t = jnp.take(word_table, word_indices, axis=0)
    # info2input linear projection followed by tanh (test=True path: no dropout,
    # use_char=False, no pretrain, no extra embeddings)
    out = jnp.tanh(word_t @ W + b)
    return out

if __name__ == "__main__":
    import jax
    _d = setup_inputs()
    print(jax.jit(kernel)(*tuple(_d.values())))

</pallas_src>

<mosaic_0001>
#map = affine_map<(d0, d1) -> (0)>
#map1 = affine_map<(d0, d1) -> (0, 0)>
module attributes {stable_mosaic.version = 14 : i64} {
  func.func @_gather_sc(%arg0: i32, %arg1: i32, %arg2: memref<16384xi32, #tpu.memory_space<hbm>>, %arg3: memref<500000x128xf32, #tpu.memory_space<hbm>>, %arg4: memref<16384x128xf32, #tpu.memory_space<hbm>>, %arg5: memref<512xi32, #tpu.memory_space<vmem>>, %arg6: memref<16x128xf32, #tpu.memory_space<vmem>>, %arg7: memref<16x128xf32, #tpu.memory_space<vmem>>, %arg8: memref<16x128xf32, #tpu.memory_space<vmem>>, %arg9: memref<16x128xf32, #tpu.memory_space<vmem>>, %arg10: memref<!tpu.dma_semaphore, #tpu.memory_space<semaphore_mem>>, %arg11: memref<!tpu.dma_semaphore, #tpu.memory_space<semaphore_mem>>, %arg12: memref<!tpu.dma_semaphore, #tpu.memory_space<semaphore_mem>>, %arg13: memref<!tpu.dma_semaphore, #tpu.memory_space<semaphore_mem>>, %arg14: memref<!tpu.dma_semaphore, #tpu.memory_space<semaphore_mem>>, %arg15: memref<!tpu.dma_semaphore, #tpu.memory_space<semaphore_mem>>, %arg16: memref<!tpu.dma_semaphore, #tpu.memory_space<semaphore_mem>>, %arg17: memref<!tpu.dma_semaphore, #tpu.memory_space<semaphore_mem>>) attributes {dimension_semantics = [#tpu.dimension_semantics<core_parallel>, #tpu.dimension_semantics<subcore_parallel>], iteration_bounds = array<i64: 2, 16>, scalar_prefetch = 0 : i64, scratch_operands = 13 : i64, tpu.core_type = #tpu.core_type<sc_vector_subcore>, window_params = [{transform_indices = #map}, {transform_indices = #map1}, {transform_indices = #map1}]} {
    %mul3A = arith.constant 2 : i32
    %mul3A_0 = arith.muli %arg1, %mul3A : i32
    %add3A = arith.addi %mul3A_0, %arg0 : i32
    %mul3A_1 = arith.constant 512 : i32
    %mul3A_2 = arith.muli %add3A, %mul3A_1 : i32
    "tpu.region"() ({
      %run_scoped3A = tpu.sem_alloc : memref<!tpu.dma_semaphore, #tpu.memory_space<semaphore_mem>>
      %dma_start3A_703 = tpu.memref_slice %arg2[%mul3A_2] : memref<16384xi32, #tpu.memory_space<hbm>> -> memref<512xi32, #tpu.memory_space<hbm>>
      %dma_start3A_704 = tpu.memref_slice %arg2[%mul3A_2] : memref<16384xi32, #tpu.memory_space<hbm>> -> memref<512xi32, #tpu.memory_space<hbm>>
      tpu.enqueue_dma source(%dma_start3A_704 : memref<512xi32, #tpu.memory_space<hbm>>) target(%arg5 : memref<512xi32, #tpu.memory_space<vmem>>) target_semaphore(%run_scoped3A : memref<!tpu.dma_semaphore, #tpu.memory_space<semaphore_mem>>)
      %dma_wait3A_705 = tpu.memref_slice %arg2[%mul3A_2] : memref<16384xi32, #tpu.memory_space<hbm>> -> memref<512xi32, #tpu.memory_space<hbm>>
      %dma_wait3A_706 = tpu.memref_slice %arg2[%mul3A_2] : memref<16384xi32, #tpu.memory_space<hbm>> -> memref<512xi32, #tpu.memory_space<hbm>>
      tpu.wait_dma2 semaphore(%run_scoped3A : memref<!tpu.dma_semaphore, #tpu.memory_space<semaphore_mem>>) src(%dma_wait3A_706 : memref<512xi32, #tpu.memory_space<hbm>>) dst(%arg5 : memref<512xi32, #tpu.memory_space<vmem>>)
      tpu.yield
    }) : () -> ()
    %get3A = arith.constant 0 : index
    %get3A_3 = tpu.vector_load %arg5[%get3A] {strides = array<i32>} : memref<512xi32, #tpu.memory_space<vmem>>, vector<16xi32>,
    %get3A_4 = vector.shape_cast %get3A_3 : vector<16xi32> to vector<16xi32>
    %shift_right_arithmetic3A = arith.constant 1 : i32
    %shift_right_arithmetic3A_5 = vector.broadcast %shift_right_arithmetic3A : i32 to vector<16xi32>
    %shift_right_arithmetic3A_6 = arith.shrsi %get3A_4, %shift_right_arithmetic3A_5 : vector<16xi32>
    %dma_start3A = arith.constant 0 : i32
    %dma_start3A_7 = arith.constant 0 : i32
    %dma_start3A_8 = tpu.memref_slice %arg3[%dma_start3A, %dma_start3A_7] : memref<500000x128xf32, #tpu.memory_space<hbm>> -> memref<500000x128xf32, #tpu.memory_space<hbm>>
    tpu.enqueue_indirect_dma source(%dma_start3A_8 : memref<500000x128xf32, #tpu.memory_space<hbm>>) target(%arg6 : memref<16x128xf32, #tpu.memory_space<vmem>>) offsets(%shift_right_arithmetic3A_6 : vector<16xi32>) semaphore(%arg10 : memref<!tpu.dma_semaphore, #tpu.memory_space<semaphore_mem>>)
    %get3A_9 = arith.constant 16 : index
    %get3A_10 = tpu.vector_load %arg5[%get3A_9] {strides = array<i32>} : memref<512xi32, #tpu.memory_space<vmem>>, vector<16xi32>,
    %get3A_11 = vector.shape_cast %get3A_10 : vector<16xi32> to vector<16xi32>
    %shift_right_arithmetic3A_12 = arith.constant 1 : i32
    %shift_right_arithmetic3A_13 = vector.broadcast %shift_right_arithmetic3A_12 : i32 to vector<16xi32>
    %shift_right_arithmetic3A_14 = arith.shrsi %get3A_11, %shift_right_arithmetic3A_13 : vector<16xi32>
    %dma_start3A_15 = arith.constant 0 : i32
    %dma_start3A_16 = arith.constant 0 : i32
    %dma_start3A_17 = tpu.memref_slice %arg3[%dma_start3A_15, %dma_start3A_16] : memref<500000x128xf32, #tpu.memory_space<hbm>> -> memref<500000x128xf32, #tpu.memory_space<hbm>>
    tpu.enqueue_indirect_dma source(%dma_start3A_17 : memref<500000x128xf32, #tpu.memory_space<hbm>>) target(%arg7 : memref<16x128xf32, #tpu.memory_space<vmem>>) offsets(%shift_right_arithmetic3A_14 : vector<16xi32>) semaphore(%arg11 : memref<!tpu.dma_semaphore, #tpu.memory_space<semaphore_mem>>)
    %get3A_18 = arith.constant 32 : index
    %get3A_19 = tpu.vector_load %arg5[%get3A_18] {strides = array<i32>} : memref<512xi32, #tpu.memory_space<vmem>>, vector<16xi32>,
    %get3A_20 = vector.shape_cast %get3A_19 : vector<16xi32> to vector<16xi32>
    %shift_right_arithmetic3A_21 = arith.constant 1 : i32
    %shift_right_arithmetic3A_22 = vector.broadcast %shift_right_arithmetic3A_21 : i32 to vector<16xi32>
    %shift_right_arithmetic3A_23 = arith.shrsi %get3A_20, %shift_right_arithmetic3A_22 : vector<16xi32>
    %dma_start3A_24 = arith.constant 0 : i32
    %dma_start3A_25 = arith.constant 0 : i32
    %dma_start3A_26 = tpu.memref_slice %arg3[%dma_start3A_24, %dma_start3A_25] : memref<500000x128xf32, #tpu.memory_space<hbm>> -> memref<500000x128xf32, #tpu.memory_space<hbm>>
    tpu.enqueue_indirect_dma source(%dma_start3A_26 : memref<500000x128xf32, #tpu.memory_space<hbm>>) target(%arg8 : memref<16x128xf32, #tpu.memory_space<vmem>>) offsets(%shift_right_arithmetic3A_23 : vector<16xi32>) semaphore(%arg12 : memref<!tpu.dma_semaphore, #tpu.memory_space<semaphore_mem>>)
    %get3A_27 = arith.constant 48 : index
    %get3A_28 = tpu.vector_load %arg5[%get3A_27] {strides = array<i32>} : memref<512xi32, #tpu.memory_space<vmem>>, vector<16xi32>,
    %get3A_29 = vector.shape_cast %get3A_28 : vector<16xi32> to vector<16xi32>
    %shift_right_arithmetic3A_30 = arith.constant 1 : i32
    %shift_right_arithmetic3A_31 = vector.broadcast %shift_right_arithmetic3A_30 : i32 to vector<16xi32>
    %shift_right_arithmetic3A_32 = arith.shrsi %get3A_29, %shift_right_arithmetic3A_31 : vector<16xi32>
    %dma_start3A_33 = arith.constant 0 : i32
    %dma_start3A_34 = arith.constant 0 : i32
    %dma_start3A_35 = tpu.memref_slice %arg3[%dma_start3A_33, %dma_start3A_34] : memref<500000x128xf32, #tpu.memory_space<hbm>> -> memref<500000x128xf32, #tpu.memory_space<hbm>>
    tpu.enqueue_indirect_dma source(%dma_start3A_35 : memref<500000x128xf32, #tpu.memory_space<hbm>>) target(%arg9 : memref<16x128xf32, #tpu.memory_space<vmem>>) offsets(%shift_right_arithmetic3A_32 : vector<16xi32>) semaphore(%arg13 : memref<!tpu.dma_semaphore, #tpu.memory_space<semaphore_mem>>)
    %dma_wait3A = arith.constant 0 : i32
    %dma_wait3A_36 = arith.constant 0 : i32
    %dma_wait3A_37 = tpu.memref_slice %arg3[%dma_wait3A, %dma_wait3A_36] : memref<500000x128xf32, #tpu.memory_space<hbm>> -> memref<500000x128xf32, #tpu.memory_space<hbm>>
    tpu.wait_indirect_dma semaphore(%arg10 : memref<!tpu.dma_semaphore, #tpu.memory_space<semaphore_mem>>) src(%dma_wait3A_37 : memref<500000x128xf32, #tpu.memory_space<hbm>>) dst(%arg6 : memref<16x128xf32, #tpu.memory_space<vmem>>)
    %add3A_38 = arith.constant 0 : i32
    %add3A_39 = arith.addi %mul3A_2, %add3A_38 : i32
    %dma_start3A_40 = arith.constant 0 : i32
    %dma_start3A_41 = tpu.memref_slice %arg4[%add3A_39, %dma_start3A_40] : memref<16384x128xf32, #tpu.memory_space<hbm>> -> memref<16x128xf32, #tpu.memory_space<hbm>>
    %dma_start3A_42 = arith.constant 0 : i32
    %dma_start3A_43 = tpu.memref_slice %arg4[%add3A_39, %dma_start3A_42] : memref<16384x128xf32, #tpu.memory_space<hbm>> -> memref<16x128xf32, #tpu.memory_space<hbm>>
    tpu.enqueue_dma source(%arg6 : memref<16x128xf32, #tpu.memory_space<vmem>>) target(%dma_start3A_43 : memref<16x128xf32, #tpu.memory_space<hbm>>) target_semaphore(%arg14 : memref<!tpu.dma_semaphore, #tpu.memory_space<semaphore_mem>>)
    %dma_wait3A_44 = arith.constant 0 : i32
    %dma_wait3A_45 = tpu.memref_slice %arg4[%add3A_39, %dma_wait3A_44] : memref<16384x128xf32, #tpu.memory_space<hbm>> -> memref<16x128xf32, #tpu.memory_space<hbm>>
    %dma_wait3A_46 = arith.constant 0 : i32
    %dma_wait3A_47 = tpu.memref_slice %arg4[%add3A_39, %dma_wait3A_46] : memref<16384x128xf32, #tpu.memory_space<hbm>> -> memref<16x128xf32, #tpu.memory_space<hbm>>
    tpu.wait_dma2 semaphore(%arg14 : memref<!tpu.dma_semaphore, #tpu.memory_space<semaphore_mem>>) src(%arg6 : memref<16x128xf32, #tpu.memory_space<vmem>>) dst(%dma_wait3A_47 : memref<16x128xf32, #tpu.memory_space<hbm>>)
    %get3A_48 = arith.constant 64 : index
    %get3A_49 = tpu.vector_load %arg5[%get3A_48] {strides = array<i32>} : memref<512xi32, #tpu.memory_space<vmem>>, vector<16xi32>,
    %get3A_50 = vector.shape_cast %get3A_49 : vector<16xi32> to vector<16xi32>
    %shift_right_arithmetic3A_51 = arith.constant 1 : i32
    %shift_right_arithmetic3A_52 = vector.broadcast %shift_right_arithmetic3A_51 : i32 to vector<16xi32>
    %shift_right_arithmetic3A_53 = arith.shrsi %get3A_50, %shift_right_arithmetic3A_52 : vector<16xi32>
    %dma_start3A_54 = arith.constant 0 : i32
    %dma_start3A_55 = arith.constant 0 : i32
    %dma_start3A_56 = tpu.memref_slice %arg3[%dma_start3A_54, %dma_start3A_55] : memref<500000x128xf32, #tpu.memory_space<hbm>> -> memref<500000x128xf32, #tpu.memory_space<hbm>>
    tpu.enqueue_indirect_dma source(%dma_start3A_56 : memref<500000x128xf32, #tpu.memory_space<hbm>>) target(%arg6 : memref<16x128xf32, #tpu.memory_space<vmem>>) offsets(%shift_right_arithmetic3A_53 : vector<16xi32>) semaphore(%arg10 : memref<!tpu.dma_semaphore, #tpu.memory_space<semaphore_mem>>)
    %dma_wait3A_57 = arith.constant 0 : i32
    %dma_wait3A_58 = arith.constant 0 : i32
    %dma_wait3A_59 = tpu.memref_slice %arg3[%dma_wait3A_57, %dma_wait3A_58] : memref<500000x128xf32, #tpu.memory_space<hbm>> -> memref<500000x128xf32, #tpu.memory_space<hbm>>
    tpu.wait_indirect_dma semaphore(%arg11 : memref<!tpu.dma_semaphore, #tpu.memory_space<semaphore_mem>>) src(%dma_wait3A_59 : memref<500000x128xf32, #tpu.memory_space<hbm>>) dst(%arg7 : memref<16x128xf32, #tpu.memory_space<vmem>>)
    %add3A_60 = arith.constant 16 : i32
    %add3A_61 = arith.addi %mul3A_2, %add3A_60 : i32
    %dma_start3A_62 = arith.constant 0 : i32
    %dma_start3A_63 = tpu.memref_slice %arg4[%add3A_61, %dma_start3A_62] : memref<16384x128xf32, #tpu.memory_space<hbm>> -> memref<16x128xf32, #tpu.memory_space<hbm>>
    %dma_start3A_64 = arith.constant 0 : i32
    %dma_start3A_65 = tpu.memref_slice %arg4[%add3A_61, %dma_start3A_64] : memref<16384x128xf32, #tpu.memory_space<hbm>> -> memref<16x128xf32, #tpu.memory_space<hbm>>
    tpu.enqueue_dma source(%arg7 : memref<16x128xf32, #tpu.memory_space<vmem>>) target(%dma_start3A_65 : memref<16x128xf32, #tpu.memory_space<hbm>>) target_semaphore(%arg15 : memref<!tpu.dma_semaphore, #tpu.memory_space<semaphore_mem>>)
    %dma_wait3A_66 = arith.constant 0 : i32
    %dma_wait3A_67 = tpu.memref_slice %arg4[%add3A_61, %dma_wait3A_66] : memref<16384x128xf32, #tpu.memory_space<hbm>> -> memref<16x128xf32, #tpu.memory_space<hbm>>
    %dma_wait3A_68 = arith.constant 0 : i32
    %dma_wait3A_69 = tpu.memref_slice %arg4[%add3A_61, %dma_wait3A_68] : memref<16384x128xf32, #tpu.memory_space<hbm>> -> memref<16x128xf32, #tpu.memory_space<hbm>>
    tpu.wait_dma2 semaphore(%arg15 : memref<!tpu.dma_semaphore, #tpu.memory_space<semaphore_mem>>) src(%arg7 : memref<16x128xf32, #tpu.memory_space<vmem>>) dst(%dma_wait3A_69 : memref<16x128xf32, #tpu.memory_space<hbm>>)
    %get3A_70 = arith.constant 80 : index
    %get3A_71 = tpu.vector_load %arg5[%get3A_70] {strides = array<i32>} : memref<512xi32, #tpu.memory_space<vmem>>, vector<16xi32>,
    %get3A_72 = vector.shape_cast %get3A_71 : vector<16xi32> to vector<16xi32>
    %shift_right_arithmetic3A_73 = arith.constant 1 : i32
    %shift_right_arithmetic3A_74 = vector.broadcast %shift_right_arithmetic3A_73 : i32 to vector<16xi32>
    %shift_right_arithmetic3A_75 = arith.shrsi %get3A_72, %shift_right_arithmetic3A_74 : vector<16xi32>
    %dma_start3A_76 = arith.constant 0 : i32
    %dma_start3A_77 = arith.constant 0 : i32
    %dma_start3A_78 = tpu.memref_slice %arg3[%dma_start3A_76, %dma_start3A_77] : memref<500000x128xf32, #tpu.memory_space<hbm>> -> memref<500000x128xf32, #tpu.memory_space<hbm>>
    tpu.enqueue_indirect_dma source(%dma_start3A_78 : memref<500000x128xf32, #tpu.memory_space<hbm>>) target(%arg7 : memref<16x128xf32, #tpu.memory_space<vmem>>) offsets(%shift_right_arithmetic3A_75 : vector<16xi32>) semaphore(%arg11 : memref<!tpu.dma_semaphore, #tpu.memory_space<semaphore_mem>>)
    %dma_wait3A_79 = arith.constant 0 : i32
    %dma_wait3A_80 = arith.constant 0 : i32
    %dma_wait3A_81 = tpu.memref_slice %arg3[%dma_wait3A_79, %dma_wait3A_80] : memref<500000x128xf32, #tpu.memory_space<hbm>> -> memref<500000x128xf32, #tpu.memory_space<hbm>>
    tpu.wait_indirect_dma semaphore(%arg12 : memref<!tpu.dma_semaphore, #tpu.memory_space<semaphore_mem>>) src(%dma_wait3A_81 : memref<500000x128xf32, #tpu.memory_space<hbm>>) dst(%arg8 : memref<16x128xf32, #tpu.memory_space<vmem>>)
    %add3A_82 = arith.constant 32 : i32
    %add3A_83 = arith.addi %mul3A_2, %add3A_82 : i32
    %dma_start3A_84 = arith.constant 0 : i32
    %dma_start3A_85 = tpu.memref_slice %arg4[%add3A_83, %dma_start3A_84] : memref<16384x128xf32, #tpu.memory_space<hbm>> -> memref<16x128xf32, #tpu.memory_space<hbm>>
    %dma_start3A_86 = arith.constant 0 : i32
    %dma_start3A_87 = tpu.memref_slice %arg4[%add3A_83, %dma_start3A_86] : memref<16384x128xf32, #tpu.memory_space<hbm>> -> memref<16x128xf32, #tpu.memory_space<hbm>>
    tpu.enqueue_dma source(%arg8 : memref<16x128xf32, #tpu.memory_space<vmem>>) target(%dma_start3A_87 : memref<16x128xf32, #tpu.memory_space<hbm>>) target_semaphore(%arg16 : memref<!tpu.dma_semaphore, #tpu.memory_space<semaphore_mem>>)
    %dma_wait3A_88 = arith.constant 0 : i32
    %dma_wait3A_89 = tpu.memref_slice %arg4[%add3A_83, %dma_wait3A_88] : memref<16384x128xf32, #tpu.memory_space<hbm>> -> memref<16x128xf32, #tpu.memory_space<hbm>>
    %dma_wait3A_90 = arith.constant 0 : i32
    %dma_wait3A_91 = tpu.memref_slice %arg4[%add3A_83, %dma_wait3A_90] : memref<16384x128xf32, #tpu.memory_space<hbm>> -> memref<16x128xf32, #tpu.memory_space<hbm>>
    tpu.wait_dma2 semaphore(%arg16 : memref<!tpu.dma_semaphore, #tpu.memory_space<semaphore_mem>>) src(%arg8 : memref<16x128xf32, #tpu.memory_space<vmem>>) dst(%dma_wait3A_91 : memref<16x128xf32, #tpu.memory_space<hbm>>)
    %get3A_92 = arith.constant 96 : index
    %get3A_93 = tpu.vector_load %arg5[%get3A_92] {strides = array<i32>} : memref<512xi32, #tpu.memory_space<vmem>>, vector<16xi32>,
    %get3A_94 = vector.shape_cast %get3A_93 : vector<16xi32> to vector<16xi32>
    %shift_right_arithmetic3A_95 = arith.constant 1 : i32
    %shift_right_arithmetic3A_96 = vector.broadcast %shift_right_arithmetic3A_95 : i32 to vector<16xi32>
    %shift_right_arithmetic3A_97 = arith.shrsi %get3A_94, %shift_right_arithmetic3A_96 : vector<16xi32>
    %dma_start3A_98 = arith.constant 0 : i32
    %dma_start3A_99 = arith.constant 0 : i32
    %dma_start3A_100 = tpu.memref_slice %arg3[%dma_start3A_98, %dma_start3A_99] : memref<500000x128xf32, #tpu.memory_space<hbm>> -> memref<500000x128xf32, #tpu.memory_space<hbm>>
    tpu.enqueue_indirect_dma source(%dma_start3A_100 : memref<500000x128xf32, #tpu.memory_space<hbm>>) target(%arg8 : memref<16x128xf32, #tpu.memory_space<vmem>>) offsets(%shift_right_arithmetic3A_97 : vector<16xi32>) semaphore(%arg12 : memref<!tpu.dma_semaphore, #tpu.memory_space<semaphore_mem>>)
    %dma_wait3A_101 = arith.constant 0 : i32
    %dma_wait3A_102 = arith.constant 0 : i32
    %dma_wait3A_103 = tpu.memref_slice %arg3[%dma_wait3A_101, %dma_wait3A_102] : memref<500000x128xf32, #tpu.memory_space<hbm>> -> memref<500000x128xf32, #tpu.memory_space<hbm>>
    tpu.wait_indirect_dma semaphore(%arg13 : memref<!tpu.dma_semaphore, #tpu.memory_space<semaphore_mem>>) src(%dma_wait3A_103 : memref<500000x128xf32, #tpu.memory_space<hbm>>) dst(%arg9 : memref<16x128xf32, #tpu.memory_space<vmem>>)
    %add3A_104 = arith.constant 48 : i32
    %add3A_105 = arith.addi %mul3A_2, %add3A_104 : i32
    %dma_start3A_106 = arith.constant 0 : i32
    %dma_start3A_107 = tpu.memref_slice %arg4[%add3A_105, %dma_start3A_106] : memref<16384x128xf32, #tpu.memory_space<hbm>> -> memref<16x128xf32, #tpu.memory_space<hbm>>
    %dma_start3A_108 = arith.constant 0 : i32
    %dma_start3A_109 = tpu.memref_slice %arg4[%add3A_105, %dma_start3A_108] : memref<16384x128xf32, #tpu.memory_space<hbm>> -> memref<16x128xf32, #tpu.memory_space<hbm>>
    tpu.enqueue_dma source(%arg9 : memref<16x128xf32, #tpu.memory_space<vmem>>) target(%dma_start3A_109 : memref<16x128xf32, #tpu.memory_space<hbm>>) target_semaphore(%arg17 : memref<!tpu.dma_semaphore, #tpu.memory_space<semaphore_mem>>)
    %dma_wait3A_110 = arith.constant 0 : i32
    %dma_wait3A_111 = tpu.memref_slice %arg4[%add3A_105, %dma_wait3A_110] : memref<16384x128xf32, #tpu.memory_space<hbm>> -> memref<16x128xf32, #tpu.memory_space<hbm>>
    %dma_wait3A_112 = arith.constant 0 : i32
    %dma_wait3A_113 = tpu.memref_slice %arg4[%add3A_105, %dma_wait3A_112] : memref<16384x128xf32, #tpu.memory_space<hbm>> -> memref<16x128xf32, #tpu.memory_space<hbm>>
    tpu.wait_dma2 semaphore(%arg17 : memref<!tpu.dma_semaphore, #tpu.memory_space<semaphore_mem>>) src(%arg9 : memref<16x128xf32, #tpu.memory_space<vmem>>) dst(%dma_wait3A_113 : memref<16x128xf32, #tpu.memory_space<hbm>>)
    %get3A_114 = arith.constant 112 : index
    %get3A_115 = tpu.vector_load %arg5[%get3A_114] {strides = array<i32>} : memref<512xi32, #tpu.memory_space<vmem>>, vector<16xi32>,
    %get3A_116 = vector.shape_cast %get3A_115 : vector<16xi32> to vector<16xi32>
    %shift_right_arithmetic3A_117 = arith.constant 1 : i32
    %shift_right_arithmetic3A_118 = vector.broadcast %shift_right_arithmetic3A_117 : i32 to vector<16xi32>
    %shift_right_arithmetic3A_119 = arith.shrsi %get3A_116, %shift_right_arithmetic3A_118 : vector<16xi32>
    %dma_start3A_120 = arith.constant 0 : i32
    %dma_start3A_121 = arith.constant 0 : i32
    %dma_start3A_122 = tpu.memref_slice %arg3[%dma_start3A_120, %dma_start3A_121] : memref<500000x128xf32, #tpu.memory_space<hbm>> -> memref<500000x128xf32, #tpu.memory_space<hbm>>
    tpu.enqueue_indirect_dma source(%dma_start3A_122 : memref<500000x128xf32, #tpu.memory_space<hbm>>) target(%arg9 : memref<16x128xf32, #tpu.memory_space<vmem>>) offsets(%shift_right_arithmetic3A_119 : vector<16xi32>) semaphore(%arg13 : memref<!tpu.dma_semaphore, #tpu.memory_space<semaphore_mem>>)
    %dma_wait3A_123 = arith.constant 0 : i32
    %dma_wait3A_124 = arith.constant 0 : i32
    %dma_wait3A_125 = tpu.memref_slice %arg3[%dma_wait3A_123, %dma_wait3A_124] : memref<500000x128xf32, #tpu.memory_space<hbm>> -> memref<500000x128xf32, #tpu.memory_space<hbm>>
    tpu.wait_indirect_dma semaphore(%arg10 : memref<!tpu.dma_semaphore, #tpu.memory_space<semaphore_mem>>) src(%dma_wait3A_125 : memref<500000x128xf32, #tpu.memory_space<hbm>>) dst(%arg6 : memref<16x128xf32, #tpu.memory_space<vmem>>)
    %add3A_126 = arith.constant 64 : i32
    %add3A_127 = arith.addi %mul3A_2, %add3A_126 : i32
    %dma_start3A_128 = arith.constant 0 : i32
    %dma_start3A_129 = tpu.memref_slice %arg4[%add3A_127, %dma_start3A_128] : memref<16384x128xf32, #tpu.memory_space<hbm>> -> memref<16x128xf32, #tpu.memory_space<hbm>>
    %dma_start3A_130 = arith.constant 0 : i32
    %dma_start3A_131 = tpu.memref_slice %arg4[%add3A_127, %dma_start3A_130] : memref<16384x128xf32, #tpu.memory_space<hbm>> -> memref<16x128xf32, #tpu.memory_space<hbm>>
    tpu.enqueue_dma source(%arg6 : memref<16x128xf32, #tpu.memory_space<vmem>>) target(%dma_start3A_131 : memref<16x128xf32, #tpu.memory_space<hbm>>) target_semaphore(%arg14 : memref<!tpu.dma_semaphore, #tpu.memory_space<semaphore_mem>>)
    %dma_wait3A_132 = arith.constant 0 : i32
    %dma_wait3A_133 = tpu.memref_slice %arg4[%add3A_127, %dma_wait3A_132] : memref<16384x128xf32, #tpu.memory_space<hbm>> -> memref<16x128xf32, #tpu.memory_space<hbm>>
    %dma_wait3A_134 = arith.constant 0 : i32
    %dma_wait3A_135 = tpu.memref_slice %arg4[%add3A_127, %dma_wait3A_134] : memref<16384x128xf32, #tpu.memory_space<hbm>> -> memref<16x128xf32, #tpu.memory_space<hbm>>
    tpu.wait_dma2 semaphore(%arg14 : memref<!tpu.dma_semaphore, #tpu.memory_space<semaphore_mem>>) src(%arg6 : memref<16x128xf32, #tpu.memory_space<vmem>>) dst(%dma_wait3A_135 : memref<16x128xf32, #tpu.memory_space<hbm>>)
    %get3A_136 = arith.constant 128 : index
    %get3A_137 = tpu.vector_load %arg5[%get3A_136] {strides = array<i32>} : memref<512xi32, #tpu.memory_space<vmem>>, vector<16xi32>,
    %get3A_138 = vector.shape_cast %get3A_137 : vector<16xi32> to vector<16xi32>
    %shift_right_arithmetic3A_139 = arith.constant 1 : i32
    %shift_right_arithmetic3A_140 = vector.broadcast %shift_right_arithmetic3A_139 : i32 to vector<16xi32>
    %shift_right_arithmetic3A_141 = arith.shrsi %get3A_138, %shift_right_arithmetic3A_140 : vector<16xi32>
    %dma_start3A_142 = arith.constant 0 : i32
    %dma_start3A_143 = arith.constant 0 : i32
    %dma_start3A_144 = tpu.memref_slice %arg3[%dma_start3A_142, %dma_start3A_143] : memref<500000x128xf32, #tpu.memory_space<hbm>> -> memref<500000x128xf32, #tpu.memory_space<hbm>>
    tpu.enqueue_indirect_dma source(%dma_start3A_144 : memref<500000x128xf32, #tpu.memory_space<hbm>>) target(%arg6 : memref<16x128xf32, #tpu.memory_space<vmem>>) offsets(%shift_right_arithmetic3A_141 : vector<16xi32>) semaphore(%arg10 : memref<!tpu.dma_semaphore, #tpu.memory_space<semaphore_mem>>)
    %dma_wait3A_145 = arith.constant 0 : i32
    %dma_wait3A_146 = arith.constant 0 : i32
    %dma_wait3A_147 = tpu.memref_slice %arg3[%dma_wait3A_145, %dma_wait3A_146] : memref<500000x128xf32, #tpu.memory_space<hbm>> -> memref<500000x128xf32, #tpu.memory_space<hbm>>
    tpu.wait_indirect_dma semaphore(%arg11 : memref<!tpu.dma_semaphore, #tpu.memory_space<semaphore_mem>>) src(%dma_wait3A_147 : memref<500000x128xf32, #tpu.memory_space<hbm>>) dst(%arg7 : memref<16x128xf32, #tpu.memory_space<vmem>>)
    %add3A_148 = arith.constant 80 : i32
    %add3A_149 = arith.addi %mul3A_2, %add3A_148 : i32
    %dma_start3A_150 = arith.constant 0 : i32
    %dma_start3A_151 = tpu.memref_slice %arg4[%add3A_149, %dma_start3A_150] : memref<16384x128xf32, #tpu.memory_space<hbm>> -> memref<16x128xf32, #tpu.memory_space<hbm>>
    %dma_start3A_152 = arith.constant 0 : i32
    %dma_start3A_153 = tpu.memref_slice %arg4[%add3A_149, %dma_start3A_152] : memref<16384x128xf32, #tpu.memory_space<hbm>> -> memref<16x128xf32, #tpu.memory_space<hbm>>
    tpu.enqueue_dma source(%arg7 : memref<16x128xf32, #tpu.memory_space<vmem>>) target(%dma_start3A_153 : memref<16x128xf32, #tpu.memory_space<hbm>>) target_semaphore(%arg15 : memref<!tpu.dma_semaphore, #tpu.memory_space<semaphore_mem>>)
    %dma_wait3A_154 = arith.constant 0 : i32
    %dma_wait3A_155 = tpu.memref_slice %arg4[%add3A_149, %dma_wait3A_154] : memref<16384x128xf32, #tpu.memory_space<hbm>> -> memref<16x128xf32, #tpu.memory_space<hbm>>
    %dma_wait3A_156 = arith.constant 0 : i32
    %dma_wait3A_157 = tpu.memref_slice %arg4[%add3A_149, %dma_wait3A_156] : memref<16384x128xf32, #tpu.memory_space<hbm>> -> memref<16x128xf32, #tpu.memory_space<hbm>>
    tpu.wait_dma2 semaphore(%arg15 : memref<!tpu.dma_semaphore, #tpu.memory_space<semaphore_mem>>) src(%arg7 : memref<16x128xf32, #tpu.memory_space<vmem>>) dst(%dma_wait3A_157 : memref<16x128xf32, #tpu.memory_space<hbm>>)
    %get3A_158 = arith.constant 144 : index
    %get3A_159 = tpu.vector_load %arg5[%get3A_158] {strides = array<i32>} : memref<512xi32, #tpu.memory_space<vmem>>, vector<16xi32>,
    %get3A_160 = vector.shape_cast %get3A_159 : vector<16xi32> to vector<16xi32>
    %shift_right_arithmetic3A_161 = arith.constant 1 : i32
    %shift_right_arithmetic3A_162 = vector.broadcast %shift_right_arithmetic3A_161 : i32 to vector<16xi32>
    %shift_right_arithmetic3A_163 = arith.shrsi %get3A_160, %shift_right_arithmetic3A_162 : vector<16xi32>
    %dma_start3A_164 = arith.constant 0 : i32
    %dma_start3A_165 = arith.constant 0 : i32
    %dma_start3A_166 = tpu.memref_slice %arg3[%dma_start3A_164, %dma_start3A_165] : memref<500000x128xf32, #tpu.memory_space<hbm>> -> memref<500000x128xf32, #tpu.memory_space<hbm>>
    tpu.enqueue_indirect_dma source(%dma_start3A_166 : memref<500000x128xf32, #tpu.memory_space<hbm>>) target(%arg7 : memref<16x128xf32, #tpu.memory_space<vmem>>) offsets(%shift_right_arithmetic3A_163 : vector<16xi32>) semaphore(%arg11 : memref<!tpu.dma_semaphore, #tpu.memory_space<semaphore_mem>>)
    %dma_wait3A_167 = arith.constant 0 : i32
    %dma_wait3A_168 = arith.constant 0 : i32
    %dma_wait3A_169 = tpu.memref_slice %arg3[%dma_wait3A_167, %dma_wait3A_168] : memref<500000x128xf32, #tpu.memory_space<hbm>> -> memref<500000x128xf32, #tpu.memory_space<hbm>>
    tpu.wait_indirect_dma semaphore(%arg12 : memref<!tpu.dma_semaphore, #tpu.memory_space<semaphore_mem>>) src(%dma_wait3A_169 : memref<500000x128xf32, #tpu.memory_space<hbm>>) dst(%arg8 : memref<16x128xf32, #tpu.memory_space<vmem>>)
    %add3A_170 = arith.constant 96 : i32
    %add3A_171 = arith.addi %mul3A_2, %add3A_170 : i32
    %dma_start3A_172 = arith.constant 0 : i32
    %dma_start3A_173 = tpu.memref_slice %arg4[%add3A_171, %dma_start3A_172] : memref<16384x128xf32, #tpu.memory_space<hbm>> -> memref<16x128xf32, #tpu.memory_space<hbm>>
    %dma_start3A_174 = arith.constant 0 : i32
    %dma_start3A_175 = tpu.memref_slice %arg4[%add3A_171, %dma_start3A_174] : memref<16384x128xf32, #tpu.memory_space<hbm>> -> memref<16x128xf32, #tpu.memory_space<hbm>>
    tpu.enqueue_dma source(%arg8 : memref<16x128xf32, #tpu.memory_space<vmem>>) target(%dma_start3A_175 : memref<16x128xf32, #tpu.memory_space<hbm>>) target_semaphore(%arg16 : memref<!tpu.dma_semaphore, #tpu.memory_space<semaphore_mem>>)
    %dma_wait3A_176 = arith.constant 0 : i32
    %dma_wait3A_177 = tpu.memref_slice %arg4[%add3A_171, %dma_wait3A_176] : memref<16384x128xf32, #tpu.memory_space<hbm>> -> memref<16x128xf32, #tpu.memory_space<hbm>>
    %dma_wait3A_178 = arith.constant 0 : i32
    %dma_wait3A_179 = tpu.memref_slice %arg4[%add3A_171, %dma_wait3A_178] : memref<16384x128xf32, #tpu.memory_space<hbm>> -> memref<16x128xf32, #tpu.memory_space<hbm>>
    tpu.wait_dma2 semaphore(%arg16 : memref<!tpu.dma_semaphore, #tpu.memory_space<semaphore_mem>>) src(%arg8 : memref<16x128xf32, #tpu.memory_space<vmem>>) dst(%dma_wait3A_179 : memref<16x128xf32, #tpu.memory_space<hbm>>)
    %get3A_180 = arith.constant 160 : index
    %get3A_181 = tpu.vector_load %arg5[%get3A_180] {strides = array<i32>} : memref<512xi32, #tpu.memory_space<vmem>>, vector<16xi32>,
    %get3A_182 = vector.shape_cast %get3A_181 : vector<16xi32> to vector<16xi32>
    %shift_right_arithmetic3A_183 = arith.constant 1 : i32
    %shift_right_arithmetic3A_184 = vector.broadcast %shift_right_arithmetic3A_183 : i32 to vector<16xi32>
    %shift_right_arithmetic3A_185 = arith.shrsi %get3A_182, %shift_right_arithmetic3A_184 : vector<16xi32>
    %dma_start3A_186 = arith.constant 0 : i32
    %dma_start3A_187 = arith.constant 0 : i32
    %dma_start3A_188 = tpu.memref_slice %arg3[%dma_start3A_186, %dma_start3A_187] : memref<500000x128xf32, #tpu.memory_space<hbm>> -> memref<500000x128xf32, #tpu.memory_space<hbm>>
    tpu.enqueue_indirect_dma source(%dma_start3A_188 : memref<500000x128xf32, #tpu.memory_space<hbm>>) target(%arg8 : memref<16x128xf32, #tpu.memory_space<vmem>>) offsets(%shift_right_arithmetic3A_185 : vector<16xi32>) semaphore(%arg12 : memref<!tpu.dma_semaphore, #tpu.memory_space<semaphore_mem>>)
    %dma_wait3A_189 = arith.constant 0 : i32
    %dma_wait3A_190 = arith.constant 0 : i32
    %dma_wait3A_191 = tpu.memref_slice %arg3[%dma_wait3A_189, %dma_wait3A_190] : memref<500000x128xf32, #tpu.memory_space<hbm>> -> memref<500000x128xf32, #tpu.memory_space<hbm>>
    tpu.wait_indirect_dma semaphore(%arg13 : memref<!tpu.dma_semaphore, #tpu.memory_space<semaphore_mem>>) src(%dma_wait3A_191 : memref<500000x128xf32, #tpu.memory_space<hbm>>) dst(%arg9 : memref<16x128xf32, #tpu.memory_space<vmem>>)
    %add3A_192 = arith.constant 112 : i32
    %add3A_193 = arith.addi %mul3A_2, %add3A_192 : i32
    %dma_start3A_194 = arith.constant 0 : i32
    %dma_start3A_195 = tpu.memref_slice %arg4[%add3A_193, %dma_start3A_194] : memref<16384x128xf32, #tpu.memory_space<hbm>> -> memref<16x128xf32, #tpu.memory_space<hbm>>
    %dma_start3A_196 = arith.constant 0 : i32
    %dma_start3A_197 = tpu.memref_slice %arg4[%add3A_193, %dma_start3A_196] : memref<16384x128xf32, #tpu.memory_space<hbm>> -> memref<16x128xf32, #tpu.memory_space<hbm>>
    tpu.enqueue_dma source(%arg9 : memref<16x128xf32, #tpu.memory_space<vmem>>) target(%dma_start3A_197 : memref<16x128xf32, #tpu.memory_space<hbm>>) target_semaphore(%arg17 : memref<!tpu.dma_semaphore, #tpu.memory_space<semaphore_mem>>)
    %dma_wait3A_198 = arith.constant 0 : i32
    %dma_wait3A_199 = tpu.memref_slice %arg4[%add3A_193, %dma_wait3A_198] : memref<16384x128xf32, #tpu.memory_space<hbm>> -> memref<16x128xf32, #tpu.memory_space<hbm>>
    %dma_wait3A_200 = arith.constant 0 : i32
    %dma_wait3A_201 = tpu.memref_slice %arg4[%add3A_193, %dma_wait3A_200] : memref<16384x128xf32, #tpu.memory_space<hbm>> -> memref<16x128xf32, #tpu.memory_space<hbm>>
    tpu.wait_dma2 semaphore(%arg17 : memref<!tpu.dma_semaphore, #tpu.memory_space<semaphore_mem>>) src(%arg9 : memref<16x128xf32, #tpu.memory_space<vmem>>) dst(%dma_wait3A_201 : memref<16x128xf32, #tpu.memory_space<hbm>>)
    %get3A_202 = arith.constant 176 : index
    %get3A_203 = tpu.vector_load %arg5[%get3A_202] {strides = array<i32>} : memref<512xi32, #tpu.memory_space<vmem>>, vector<16xi32>,
    %get3A_204 = vector.shape_cast %get3A_203 : vector<16xi32> to vector<16xi32>
    %shift_right_arithmetic3A_205 = arith.constant 1 : i32
    %shift_right_arithmetic3A_206 = vector.broadcast %shift_right_arithmetic3A_205 : i32 to vector<16xi32>
    %shift_right_arithmetic3A_207 = arith.shrsi %get3A_204, %shift_right_arithmetic3A_206 : vector<16xi32>
    %dma_start3A_208 = arith.constant 0 : i32
    %dma_start3A_209 = arith.constant 0 : i32
    %dma_start3A_210 = tpu.memref_slice %arg3[%dma_start3A_208, %dma_start3A_209] : memref<500000x128xf32, #tpu.memory_space<hbm>> -> memref<500000x128xf32, #tpu.memory_space<hbm>>
    tpu.enqueue_indirect_dma source(%dma_start3A_210 : memref<500000x128xf32, #tpu.memory_space<hbm>>) target(%arg9 : memref<16x128xf32, #tpu.memory_space<vmem>>) offsets(%shift_right_arithmetic3A_207 : vector<16xi32>) semaphore(%arg13 : memref<!tpu.dma_semaphore, #tpu.memory_space<semaphore_mem>>)
    %dma_wait3A_211 = arith.constant 0 : i32
    %dma_wait3A_212 = arith.constant 0 : i32
    %dma_wait3A_213 = tpu.memref_slice %arg3[%dma_wait3A_211, %dma_wait3A_212] : memref<500000x128xf32, #tpu.memory_space<hbm>> -> memref<500000x128xf32, #tpu.memory_space<hbm>>
    tpu.wait_indirect_dma semaphore(%arg10 : memref<!tpu.dma_semaphore, #tpu.memory_space<semaphore_mem>>) src(%dma_wait3A_213 : memref<500000x128xf32, #tpu.memory_space<hbm>>) dst(%arg6 : memref<16x128xf32, #tpu.memory_space<vmem>>)
    %add3A_214 = arith.constant 128 : i32
    %add3A_215 = arith.addi %mul3A_2, %add3A_214 : i32
    %dma_start3A_216 = arith.constant 0 : i32
    %dma_start3A_217 = tpu.memref_slice %arg4[%add3A_215, %dma_start3A_216] : memref<16384x128xf32, #tpu.memory_space<hbm>> -> memref<16x128xf32, #tpu.memory_space<hbm>>
    %dma_start3A_218 = arith.constant 0 : i32
    %dma_start3A_219 = tpu.memref_slice %arg4[%add3A_215, %dma_start3A_218] : memref<16384x128xf32, #tpu.memory_space<hbm>> -> memref<16x128xf32, #tpu.memory_space<hbm>>
    tpu.enqueue_dma source(%arg6 : memref<16x128xf32, #tpu.memory_space<vmem>>) target(%dma_start3A_219 : memref<16x128xf32, #tpu.memory_space<hbm>>) target_semaphore(%arg14 : memref<!tpu.dma_semaphore, #tpu.memory_space<semaphore_mem>>)
    %dma_wait3A_220 = arith.constant 0 : i32
    %dma_wait3A_221 = tpu.memref_slice %arg4[%add3A_215, %dma_wait3A_220] : memref<16384x128xf32, #tpu.memory_space<hbm>> -> memref<16x128xf32, #tpu.memory_space<hbm>>
    %dma_wait3A_222 = arith.constant 0 : i32
    %dma_wait3A_223 = tpu.memref_slice %arg4[%add3A_215, %dma_wait3A_222] : memref<16384x128xf32, #tpu.memory_space<hbm>> -> memref<16x128xf32, #tpu.memory_space<hbm>>
    tpu.wait_dma2 semaphore(%arg14 : memref<!tpu.dma_semaphore, #tpu.memory_space<semaphore_mem>>) src(%arg6 : memref<16x128xf32, #tpu.memory_space<vmem>>) dst(%dma_wait3A_223 : memref<16x128xf32, #tpu.memory_space<hbm>>)
    %get3A_224 = arith.constant 192 : index
    %get3A_225 = tpu.vector_load %arg5[%get3A_224] {strides = array<i32>} : memref<512xi32, #tpu.memory_space<vmem>>, vector<16xi32>,
    %get3A_226 = vector.shape_cast %get3A_225 : vector<16xi32> to vector<16xi32>
    %shift_right_arithmetic3A_227 = arith.constant 1 : i32
    %shift_right_arithmetic3A_228 = vector.broadcast %shift_right_arithmetic3A_227 : i32 to vector<16xi32>
    %shift_right_arithmetic3A_229 = arith.shrsi %get3A_226, %shift_right_arithmetic3A_228 : vector<16xi32>
    %dma_start3A_230 = arith.constant 0 : i32
    %dma_start3A_231 = arith.constant 0 : i32
    %dma_start3A_232 = tpu.memref_slice %arg3[%dma_start3A_230, %dma_start3A_231] : memref<500000x128xf32, #tpu.memory_space<hbm>> -> memref<500000x128xf32, #tpu.memory_space<hbm>>
    tpu.enqueue_indirect_dma source(%dma_start3A_232 : memref<500000x128xf32, #tpu.memory_space<hbm>>) target(%arg6 : memref<16x128xf32, #tpu.memory_space<vmem>>) offsets(%shift_right_arithmetic3A_229 : vector<16xi32>) semaphore(%arg10 : memref<!tpu.dma_semaphore, #tpu.memory_space<semaphore_mem>>)
    %dma_wait3A_233 = arith.constant 0 : i32
    %dma_wait3A_234 = arith.constant 0 : i32
    %dma_wait3A_235 = tpu.memref_slice %arg3[%dma_wait3A_233, %dma_wait3A_234] : memref<500000x128xf32, #tpu.memory_space<hbm>> -> memref<500000x128xf32, #tpu.memory_space<hbm>>
    tpu.wait_indirect_dma semaphore(%arg11 : memref<!tpu.dma_semaphore, #tpu.memory_space<semaphore_mem>>) src(%dma_wait3A_235 : memref<500000x128xf32, #tpu.memory_space<hbm>>) dst(%arg7 : memref<16x128xf32, #tpu.memory_space<vmem>>)
    %add3A_236 = arith.constant 144 : i32
    %add3A_237 = arith.addi %mul3A_2, %add3A_236 : i32
    %dma_start3A_238 = arith.constant 0 : i32
    %dma_start3A_239 = tpu.memref_slice %arg4[%add3A_237, %dma_start3A_238] : memref<16384x128xf32, #tpu.memory_space<hbm>> -> memref<16x128xf32, #tpu.memory_space<hbm>>
    %dma_start3A_240 = arith.constant 0 : i32
    %dma_start3A_241 = tpu.memref_slice %arg4[%add3A_237, %dma_start3A_240] : memref<16384x128xf32, #tpu.memory_space<hbm>> -> memref<16x128xf32, #tpu.memory_space<hbm>>
    tpu.enqueue_dma source(%arg7 : memref<16x128xf32, #tpu.memory_space<vmem>>) target(%dma_start3A_241 : memref<16x128xf32, #tpu.memory_space<hbm>>) target_semaphore(%arg15 : memref<!tpu.dma_semaphore, #tpu.memory_space<semaphore_mem>>)
    %dma_wait3A_242 = arith.constant 0 : i32
    %dma_wait3A_243 = tpu.memref_slice %arg4[%add3A_237, %dma_wait3A_242] : memref<16384x128xf32, #tpu.memory_space<hbm>> -> memref<16x128xf32, #tpu.memory_space<hbm>>
    %dma_wait3A_244 = arith.constant 0 : i32
    %dma_wait3A_245 = tpu.memref_slice %arg4[%add3A_237, %dma_wait3A_244] : memref<16384x128xf32, #tpu.memory_space<hbm>> -> memref<16x128xf32, #tpu.memory_space<hbm>>
    tpu.wait_dma2 semaphore(%arg15 : memref<!tpu.dma_semaphore, #tpu.memory_space<semaphore_mem>>) src(%arg7 : memref<16x128xf32, #tpu.memory_space<vmem>>) dst(%dma_wait3A_245 : memref<16x128xf32, #tpu.memory_space<hbm>>)
    %get3A_246 = arith.constant 208 : index
    %get3A_247 = tpu.vector_load %arg5[%get3A_246] {strides = array<i32>} : memref<512xi32, #tpu.memory_space<vmem>>, vector<16xi32>,
    %get3A_248 = vector.shape_cast %get3A_247 : vector<16xi32> to vector<16xi32>
    %shift_right_arithmetic3A_249 = arith.constant 1 : i32
    %shift_right_arithmetic3A_250 = vector.broadcast %shift_right_arithmetic3A_249 : i32 to vector<16xi32>
    %shift_right_arithmetic3A_251 = arith.shrsi %get3A_248, %shift_right_arithmetic3A_250 : vector<16xi32>
    %dma_start3A_252 = arith.constant 0 : i32
    %dma_start3A_253 = arith.constant 0 : i32
    %dma_start3A_254 = tpu.memref_slice %arg3[%dma_start3A_252, %dma_start3A_253] : memref<500000x128xf32, #tpu.memory_space<hbm>> -> memref<500000x128xf32, #tpu.memory_space<hbm>>
    tpu.enqueue_indirect_dma source(%dma_start3A_254 : memref<500000x128xf32, #tpu.memory_space<hbm>>) target(%arg7 : memref<16x128xf32, #tpu.memory_space<vmem>>) offsets(%shift_right_arithmetic3A_251 : vector<16xi32>) semaphore(%arg11 : memref<!tpu.dma_semaphore, #tpu.memory_space<semaphore_mem>>)
    %dma_wait3A_255 = arith.constant 0 : i32
    %dma_wait3A_256 = arith.constant 0 : i32
    %dma_wait3A_257 = tpu.memref_slice %arg3[%dma_wait3A_255, %dma_wait3A_256] : memref<500000x128xf32, #tpu.memory_space<hbm>> -> memref<500000x128xf32, #tpu.memory_space<hbm>>
    tpu.wait_indirect_dma semaphore(%arg12 : memref<!tpu.dma_semaphore, #tpu.memory_space<semaphore_mem>>) src(%dma_wait3A_257 : memref<500000x128xf32, #tpu.memory_space<hbm>>) dst(%arg8 : memref<16x128xf32, #tpu.memory_space<vmem>>)
    %add3A_258 = arith.constant 160 : i32
    %add3A_259 = arith.addi %mul3A_2, %add3A_258 : i32
    %dma_start3A_260 = arith.constant 0 : i32
    %dma_start3A_261 = tpu.memref_slice %arg4[%add3A_259, %dma_start3A_260] : memref<16384x128xf32, #tpu.memory_space<hbm>> -> memref<16x128xf32, #tpu.memory_space<hbm>>
    %dma_start3A_262 = arith.constant 0 : i32
    %dma_start3A_263 = tpu.memref_slice %arg4[%add3A_259, %dma_start3A_262] : memref<16384x128xf32, #tpu.memory_space<hbm>> -> memref<16x128xf32, #tpu.memory_space<hbm>>
    tpu.enqueue_dma source(%arg8 : memref<16x128xf32, #tpu.memory_space<vmem>>) target(%dma_start3A_263 : memref<16x128xf32, #tpu.memory_space<hbm>>) target_semaphore(%arg16 : memref<!tpu.dma_semaphore, #tpu.memory_space<semaphore_mem>>)
    %dma_wait3A_264 = arith.constant 0 : i32
    %dma_wait3A_265 = tpu.memref_slice %arg4[%add3A_259, %dma_wait3A_264] : memref<16384x128xf32, #tpu.memory_space<hbm>> -> memref<16x128xf32, #tpu.memory_space<hbm>>
    %dma_wait3A_266 = arith.constant 0 : i32
    %dma_wait3A_267 = tpu.memref_slice %arg4[%add3A_259, %dma_wait3A_266] : memref<16384x128xf32, #tpu.memory_space<hbm>> -> memref<16x128xf32, #tpu.memory_space<hbm>>
    tpu.wait_dma2 semaphore(%arg16 : memref<!tpu.dma_semaphore, #tpu.memory_space<semaphore_mem>>) src(%arg8 : memref<16x128xf32, #tpu.memory_space<vmem>>) dst(%dma_wait3A_267 : memref<16x128xf32, #tpu.memory_space<hbm>>)
    %get3A_268 = arith.constant 224 : index
    %get3A_269 = tpu.vector_load %arg5[%get3A_268] {strides = array<i32>} : memref<512xi32, #tpu.memory_space<vmem>>, vector<16xi32>,
    %get3A_270 = vector.shape_cast %get3A_269 : vector<16xi32> to vector<16xi32>
    %shift_right_arithmetic3A_271 = arith.constant 1 : i32
    %shift_right_arithmetic3A_272 = vector.broadcast %shift_right_arithmetic3A_271 : i32 to vector<16xi32>
    %shift_right_arithmetic3A_273 = arith.shrsi %get3A_270, %shift_right_arithmetic3A_272 : vector<16xi32>
    %dma_start3A_274 = arith.constant 0 : i32
    %dma_start3A_275 = arith.constant 0 : i32
    %dma_start3A_276 = tpu.memref_slice %arg3[%dma_start3A_274, %dma_start3A_275] : memref<500000x128xf32, #tpu.memory_space<hbm>> -> memref<500000x128xf32, #tpu.memory_space<hbm>>
    tpu.enqueue_indirect_dma source(%dma_start3A_276 : memref<500000x128xf32, #tpu.memory_space<hbm>>) target(%arg8 : memref<16x128xf32, #tpu.memory_space<vmem>>) offsets(%shift_right_arithmetic3A_273 : vector<16xi32>) semaphore(%arg12 : memref<!tpu.dma_semaphore, #tpu.memory_space<semaphore_mem>>)
    %dma_wait3A_277 = arith.constant 0 : i32
    %dma_wait3A_278 = arith.constant 0 : i32
    %dma_wait3A_279 = tpu.memref_slice %arg3[%dma_wait3A_277, %dma_wait3A_278] : memref<500000x128xf32, #tpu.memory_space<hbm>> -> memref<500000x128xf32, #tpu.memory_space<hbm>>
    tpu.wait_indirect_dma semaphore(%arg13 : memref<!tpu.dma_semaphore, #tpu.memory_space<semaphore_mem>>) src(%dma_wait3A_279 : memref<500000x128xf32, #tpu.memory_space<hbm>>) dst(%arg9 : memref<16x128xf32, #tpu.memory_space<vmem>>)
    %add3A_280 = arith.constant 176 : i32
    %add3A_281 = arith.addi %mul3A_2, %add3A_280 : i32
    %dma_start3A_282 = arith.constant 0 : i32
    %dma_start3A_283 = tpu.memref_slice %arg4[%add3A_281, %dma_start3A_282] : memref<16384x128xf32, #tpu.memory_space<hbm>> -> memref<16x128xf32, #tpu.memory_space<hbm>>
    %dma_start3A_284 = arith.constant 0 : i32
    %dma_start3A_285 = tpu.memref_slice %arg4[%add3A_281, %dma_start3A_284] : memref<16384x128xf32, #tpu.memory_space<hbm>> -> memref<16x128xf32, #tpu.memory_space<hbm>>
    tpu.enqueue_dma source(%arg9 : memref<16x128xf32, #tpu.memory_space<vmem>>) target(%dma_start3A_285 : memref<16x128xf32, #tpu.memory_space<hbm>>) target_semaphore(%arg17 : memref<!tpu.dma_semaphore, #tpu.memory_space<semaphore_mem>>)
    %dma_wait3A_286 = arith.constant 0 : i32
    %dma_wait3A_287 = tpu.memref_slice %arg4[%add3A_281, %dma_wait3A_286] : memref<16384x128xf32, #tpu.memory_space<hbm>> -> memref<16x128xf32, #tpu.memory_space<hbm>>
    %dma_wait3A_288 = arith.constant 0 : i32
    %dma_wait3A_289 = tpu.memref_slice %arg4[%add3A_281, %dma_wait3A_288] : memref<16384x128xf32, #tpu.memory_space<hbm>> -> memref<16x128xf32, #tpu.memory_space<hbm>>
    tpu.wait_dma2 semaphore(%arg17 : memref<!tpu.dma_semaphore, #tpu.memory_space<semaphore_mem>>) src(%arg9 : memref<16x128xf32, #tpu.memory_space<vmem>>) dst(%dma_wait3A_289 : memref<16x128xf32, #tpu.memory_space<hbm>>)
    %get3A_290 = arith.constant 240 : index
    %get3A_291 = tpu.vector_load %arg5[%get3A_290] {strides = array<i32>} : memref<512xi32, #tpu.memory_space<vmem>>, vector<16xi32>,
    %get3A_292 = vector.shape_cast %get3A_291 : vector<16xi32> to vector<16xi32>
    %shift_right_arithmetic3A_293 = arith.constant 1 : i32
    %shift_right_arithmetic3A_294 = vector.broadcast %shift_right_arithmetic3A_293 : i32 to vector<16xi32>
    %shift_right_arithmetic3A_295 = arith.shrsi %get3A_292, %shift_right_arithmetic3A_294 : vector<16xi32>
    %dma_start3A_296 = arith.constant 0 : i32
    %dma_start3A_297 = arith.constant 0 : i32
    %dma_start3A_298 = tpu.memref_slice %arg3[%dma_start3A_296, %dma_start3A_297] : memref<500000x128xf32, #tpu.memory_space<hbm>> -> memref<500000x128xf32, #tpu.memory_space<hbm>>
    tpu.enqueue_indirect_dma source(%dma_start3A_298 : memref<500000x128xf32, #tpu.memory_space<hbm>>) target(%arg9 : memref<16x128xf32, #tpu.memory_space<vmem>>) offsets(%shift_right_arithmetic3A_295 : vector<16xi32>) semaphore(%arg13 : memref<!tpu.dma_semaphore, #tpu.memory_space<semaphore_mem>>)
    %dma_wait3A_299 = arith.constant 0 : i32
    %dma_wait3A_300 = arith.constant 0 : i32
    %dma_wait3A_301 = tpu.memref_slice %arg3[%dma_wait3A_299, %dma_wait3A_300] : memref<500000x128xf32, #tpu.memory_space<hbm>> -> memref<500000x128xf32, #tpu.memory_space<hbm>>
    tpu.wait_indirect_dma semaphore(%arg10 : memref<!tpu.dma_semaphore, #tpu.memory_space<semaphore_mem>>) src(%dma_wait3A_301 : memref<500000x128xf32, #tpu.memory_space<hbm>>) dst(%arg6 : memref<16x128xf32, #tpu.memory_space<vmem>>)
    %add3A_302 = arith.constant 192 : i32
    %add3A_303 = arith.addi %mul3A_2, %add3A_302 : i32
    %dma_start3A_304 = arith.constant 0 : i32
    %dma_start3A_305 = tpu.memref_slice %arg4[%add3A_303, %dma_start3A_304] : memref<16384x128xf32, #tpu.memory_space<hbm>> -> memref<16x128xf32, #tpu.memory_space<hbm>>
    %dma_start3A_306 = arith.constant 0 : i32
    %dma_start3A_307 = tpu.memref_slice %arg4[%add3A_303, %dma_start3A_306] : memref<16384x128xf32, #tpu.memory_space<hbm>> -> memref<16x128xf32, #tpu.memory_space<hbm>>
    tpu.enqueue_dma source(%arg6 : memref<16x128xf32, #tpu.memory_space<vmem>>) target(%dma_start3A_307 : memref<16x128xf32, #tpu.memory_space<hbm>>) target_semaphore(%arg14 : memref<!tpu.dma_semaphore, #tpu.memory_space<semaphore_mem>>)
    %dma_wait3A_308 = arith.constant 0 : i32
    %dma_wait3A_309 = tpu.memref_slice %arg4[%add3A_303, %dma_wait3A_308] : memref<16384x128xf32, #tpu.memory_space<hbm>> -> memref<16x128xf32, #tpu.memory_space<hbm>>
    %dma_wait3A_310 = arith.constant 0 : i32
    %dma_wait3A_311 = tpu.memref_slice %arg4[%add3A_303, %dma_wait3A_310] : memref<16384x128xf32, #tpu.memory_space<hbm>> -> memref<16x128xf32, #tpu.memory_space<hbm>>
    tpu.wait_dma2 semaphore(%arg14 : memref<!tpu.dma_semaphore, #tpu.memory_space<semaphore_mem>>) src(%arg6 : memref<16x128xf32, #tpu.memory_space<vmem>>) dst(%dma_wait3A_311 : memref<16x128xf32, #tpu.memory_space<hbm>>)
    %get3A_312 = arith.constant 256 : index
    %get3A_313 = tpu.vector_load %arg5[%get3A_312] {strides = array<i32>} : memref<512xi32, #tpu.memory_space<vmem>>, vector<16xi32>,
    %get3A_314 = vector.shape_cast %get3A_313 : vector<16xi32> to vector<16xi32>
    %shift_right_arithmetic3A_315 = arith.constant 1 : i32
    %shift_right_arithmetic3A_316 = vector.broadcast %shift_right_arithmetic3A_315 : i32 to vector<16xi32>
    %shift_right_arithmetic3A_317 = arith.shrsi %get3A_314, %shift_right_arithmetic3A_316 : vector<16xi32>
    %dma_start3A_318 = arith.constant 0 : i32
    %dma_start3A_319 = arith.constant 0 : i32
    %dma_start3A_320 = tpu.memref_slice %arg3[%dma_start3A_318, %dma_start3A_319] : memref<500000x128xf32, #tpu.memory_space<hbm>> -> memref<500000x128xf32, #tpu.memory_space<hbm>>
    tpu.enqueue_indirect_dma source(%dma_start3A_320 : memref<500000x128xf32, #tpu.memory_space<hbm>>) target(%arg6 : memref<16x128xf32, #tpu.memory_space<vmem>>) offsets(%shift_right_arithmetic3A_317 : vector<16xi32>) semaphore(%arg10 : memref<!tpu.dma_semaphore, #tpu.memory_space<semaphore_mem>>)
    %dma_wait3A_321 = arith.constant 0 : i32
    %dma_wait3A_322 = arith.constant 0 : i32
    %dma_wait3A_323 = tpu.memref_slice %arg3[%dma_wait3A_321, %dma_wait3A_322] : memref<500000x128xf32, #tpu.memory_space<hbm>> -> memref<500000x128xf32, #tpu.memory_space<hbm>>
    tpu.wait_indirect_dma semaphore(%arg11 : memref<!tpu.dma_semaphore, #tpu.memory_space<semaphore_mem>>) src(%dma_wait3A_323 : memref<500000x128xf32, #tpu.memory_space<hbm>>) dst(%arg7 : memref<16x128xf32, #tpu.memory_space<vmem>>)
    %add3A_324 = arith.constant 208 : i32
    %add3A_325 = arith.addi %mul3A_2, %add3A_324 : i32
    %dma_start3A_326 = arith.constant 0 : i32
    %dma_start3A_327 = tpu.memref_slice %arg4[%add3A_325, %dma_start3A_326] : memref<16384x128xf32, #tpu.memory_space<hbm>> -> memref<16x128xf32, #tpu.memory_space<hbm>>
    %dma_start3A_328 = arith.constant 0 : i32
    %dma_start3A_329 = tpu.memref_slice %arg4[%add3A_325, %dma_start3A_328] : memref<16384x128xf32, #tpu.memory_space<hbm>> -> memref<16x128xf32, #tpu.memory_space<hbm>>
    tpu.enqueue_dma source(%arg7 : memref<16x128xf32, #tpu.memory_space<vmem>>) target(%dma_start3A_329 : memref<16x128xf32, #tpu.memory_space<hbm>>) target_semaphore(%arg15 : memref<!tpu.dma_semaphore, #tpu.memory_space<semaphore_mem>>)
    %dma_wait3A_330 = arith.constant 0 : i32
    %dma_wait3A_331 = tpu.memref_slice %arg4[%add3A_325, %dma_wait3A_330] : memref<16384x128xf32, #tpu.memory_space<hbm>> -> memref<16x128xf32, #tpu.memory_space<hbm>>
    %dma_wait3A_332 = arith.constant 0 : i32
    %dma_wait3A_333 = tpu.memref_slice %arg4[%add3A_325, %dma_wait3A_332] : memref<16384x128xf32, #tpu.memory_space<hbm>> -> memref<16x128xf32, #tpu.memory_space<hbm>>
    tpu.wait_dma2 semaphore(%arg15 : memref<!tpu.dma_semaphore, #tpu.memory_space<semaphore_mem>>) src(%arg7 : memref<16x128xf32, #tpu.memory_space<vmem>>) dst(%dma_wait3A_333 : memref<16x128xf32, #tpu.memory_space<hbm>>)
    %get3A_334 = arith.constant 272 : index
    %get3A_335 = tpu.vector_load %arg5[%get3A_334] {strides = array<i32>} : memref<512xi32, #tpu.memory_space<vmem>>, vector<16xi32>,
    %get3A_336 = vector.shape_cast %get3A_335 : vector<16xi32> to vector<16xi32>
    %shift_right_arithmetic3A_337 = arith.constant 1 : i32
    %shift_right_arithmetic3A_338 = vector.broadcast %shift_right_arithmetic3A_337 : i32 to vector<16xi32>
    %shift_right_arithmetic3A_339 = arith.shrsi %get3A_336, %shift_right_arithmetic3A_338 : vector<16xi32>
    %dma_start3A_340 = arith.constant 0 : i32
    %dma_start3A_341 = arith.constant 0 : i32
    %dma_start3A_342 = tpu.memref_slice %arg3[%dma_start3A_340, %dma_start3A_341] : memref<500000x128xf32, #tpu.memory_space<hbm>> -> memref<500000x128xf32, #tpu.memory_space<hbm>>
    tpu.enqueue_indirect_dma source(%dma_start3A_342 : memref<500000x128xf32, #tpu.memory_space<hbm>>) target(%arg7 : memref<16x128xf32, #tpu.memory_space<vmem>>) offsets(%shift_right_arithmetic3A_339 : vector<16xi32>) semaphore(%arg11 : memref<!tpu.dma_semaphore, #tpu.memory_space<semaphore_mem>>)
    %dma_wait3A_343 = arith.constant 0 : i32
    %dma_wait3A_344 = arith.constant 0 : i32
    %dma_wait3A_345 = tpu.memref_slice %arg3[%dma_wait3A_343, %dma_wait3A_344] : memref<500000x128xf32, #tpu.memory_space<hbm>> -> memref<500000x128xf32, #tpu.memory_space<hbm>>
    tpu.wait_indirect_dma semaphore(%arg12 : memref<!tpu.dma_semaphore, #tpu.memory_space<semaphore_mem>>) src(%dma_wait3A_345 : memref<500000x128xf32, #tpu.memory_space<hbm>>) dst(%arg8 : memref<16x128xf32, #tpu.memory_space<vmem>>)
    %add3A_346 = arith.constant 224 : i32
    %add3A_347 = arith.addi %mul3A_2, %add3A_346 : i32
    %dma_start3A_348 = arith.constant 0 : i32
    %dma_start3A_349 = tpu.memref_slice %arg4[%add3A_347, %dma_start3A_348] : memref<16384x128xf32, #tpu.memory_space<hbm>> -> memref<16x128xf32, #tpu.memory_space<hbm>>
    %dma_start3A_350 = arith.constant 0 : i32
    %dma_start3A_351 = tpu.memref_slice %arg4[%add3A_347, %dma_start3A_350] : memref<16384x128xf32, #tpu.memory_space<hbm>> -> memref<16x128xf32, #tpu.memory_space<hbm>>
    tpu.enqueue_dma source(%arg8 : memref<16x128xf32, #tpu.memory_space<vmem>>) target(%dma_start3A_351 : memref<16x128xf32, #tpu.memory_space<hbm>>) target_semaphore(%arg16 : memref<!tpu.dma_semaphore, #tpu.memory_space<semaphore_mem>>)
    %dma_wait3A_352 = arith.constant 0 : i32
    %dma_wait3A_353 = tpu.memref_slice %arg4[%add3A_347, %dma_wait3A_352] : memref<16384x128xf32, #tpu.memory_space<hbm>> -> memref<16x128xf32, #tpu.memory_space<hbm>>
    %dma_wait3A_354 = arith.constant 0 : i32
    %dma_wait3A_355 = tpu.memref_slice %arg4[%add3A_347, %dma_wait3A_354] : memref<16384x128xf32, #tpu.memory_space<hbm>> -> memref<16x128xf32, #tpu.memory_space<hbm>>
    tpu.wait_dma2 semaphore(%arg16 : memref<!tpu.dma_semaphore, #tpu.memory_space<semaphore_mem>>) src(%arg8 : memref<16x128xf32, #tpu.memory_space<vmem>>) dst(%dma_wait3A_355 : memref<16x128xf32, #tpu.memory_space<hbm>>)
    %get3A_356 = arith.constant 288 : index
    %get3A_357 = tpu.vector_load %arg5[%get3A_356] {strides = array<i32>} : memref<512xi32, #tpu.memory_space<vmem>>, vector<16xi32>,
    %get3A_358 = vector.shape_cast %get3A_357 : vector<16xi32> to vector<16xi32>
    %shift_right_arithmetic3A_359 = arith.constant 1 : i32
    %shift_right_arithmetic3A_360 = vector.broadcast %shift_right_arithmetic3A_359 : i32 to vector<16xi32>
    %shift_right_arithmetic3A_361 = arith.shrsi %get3A_358, %shift_right_arithmetic3A_360 : vector<16xi32>
    %dma_start3A_362 = arith.constant 0 : i32
    %dma_start3A_363 = arith.constant 0 : i32
    %dma_start3A_364 = tpu.memref_slice %arg3[%dma_start3A_362, %dma_start3A_363] : memref<500000x128xf32, #tpu.memory_space<hbm>> -> memref<500000x128xf32, #tpu.memory_space<hbm>>
    tpu.enqueue_indirect_dma source(%dma_start3A_364 : memref<500000x128xf32, #tpu.memory_space<hbm>>) target(%arg8 : memref<16x128xf32, #tpu.memory_space<vmem>>) offsets(%shift_right_arithmetic3A_361 : vector<16xi32>) semaphore(%arg12 : memref<!tpu.dma_semaphore, #tpu.memory_space<semaphore_mem>>)
    %dma_wait3A_365 = arith.constant 0 : i32
    %dma_wait3A_366 = arith.constant 0 : i32
    %dma_wait3A_367 = tpu.memref_slice %arg3[%dma_wait3A_365, %dma_wait3A_366] : memref<500000x128xf32, #tpu.memory_space<hbm>> -> memref<500000x128xf32, #tpu.memory_space<hbm>>
    tpu.wait_indirect_dma semaphore(%arg13 : memref<!tpu.dma_semaphore, #tpu.memory_space<semaphore_mem>>) src(%dma_wait3A_367 : memref<500000x128xf32, #tpu.memory_space<hbm>>) dst(%arg9 : memref<16x128xf32, #tpu.memory_space<vmem>>)
    %add3A_368 = arith.constant 240 : i32
    %add3A_369 = arith.addi %mul3A_2, %add3A_368 : i32
    %dma_start3A_370 = arith.constant 0 : i32
    %dma_start3A_371 = tpu.memref_slice %arg4[%add3A_369, %dma_start3A_370] : memref<16384x128xf32, #tpu.memory_space<hbm>> -> memref<16x128xf32, #tpu.memory_space<hbm>>
    %dma_start3A_372 = arith.constant 0 : i32
    %dma_start3A_373 = tpu.memref_slice %arg4[%add3A_369, %dma_start3A_372] : memref<16384x128xf32, #tpu.memory_space<hbm>> -> memref<16x128xf32, #tpu.memory_space<hbm>>
    tpu.enqueue_dma source(%arg9 : memref<16x128xf32, #tpu.memory_space<vmem>>) target(%dma_start3A_373 : memref<16x128xf32, #tpu.memory_space<hbm>>) target_semaphore(%arg17 : memref<!tpu.dma_semaphore, #tpu.memory_space<semaphore_mem>>)
    %dma_wait3A_374 = arith.constant 0 : i32
    %dma_wait3A_375 = tpu.memref_slice %arg4[%add3A_369, %dma_wait3A_374] : memref<16384x128xf32, #tpu.memory_space<hbm>> -> memref<16x128xf32, #tpu.memory_space<hbm>>
    %dma_wait3A_376 = arith.constant 0 : i32
    %dma_wait3A_377 = tpu.memref_slice %arg4[%add3A_369, %dma_wait3A_376] : memref<16384x128xf32, #tpu.memory_space<hbm>> -> memref<16x128xf32, #tpu.memory_space<hbm>>
    tpu.wait_dma2 semaphore(%arg17 : memref<!tpu.dma_semaphore, #tpu.memory_space<semaphore_mem>>) src(%arg9 : memref<16x128xf32, #tpu.memory_space<vmem>>) dst(%dma_wait3A_377 : memref<16x128xf32, #tpu.memory_space<hbm>>)
    %get3A_378 = arith.constant 304 : index
    %get3A_379 = tpu.vector_load %arg5[%get3A_378] {strides = array<i32>} : memref<512xi32, #tpu.memory_space<vmem>>, vector<16xi32>,
    %get3A_380 = vector.shape_cast %get3A_379 : vector<16xi32> to vector<16xi32>
    %shift_right_arithmetic3A_381 = arith.constant 1 : i32
    %shift_right_arithmetic3A_382 = vector.broadcast %shift_right_arithmetic3A_381 : i32 to vector<16xi32>
    %shift_right_arithmetic3A_383 = arith.shrsi %get3A_380, %shift_right_arithmetic3A_382 : vector<16xi32>
    %dma_start3A_384 = arith.constant 0 : i32
    %dma_start3A_385 = arith.constant 0 : i32
    %dma_start3A_386 = tpu.memref_slice %arg3[%dma_start3A_384, %dma_start3A_385] : memref<500000x128xf32, #tpu.memory_space<hbm>> -> memref<500000x128xf32, #tpu.memory_space<hbm>>
    tpu.enqueue_indirect_dma source(%dma_start3A_386 : memref<500000x128xf32, #tpu.memory_space<hbm>>) target(%arg9 : memref<16x128xf32, #tpu.memory_space<vmem>>) offsets(%shift_right_arithmetic3A_383 : vector<16xi32>) semaphore(%arg13 : memref<!tpu.dma_semaphore, #tpu.memory_space<semaphore_mem>>)
    %dma_wait3A_387 = arith.constant 0 : i32
    %dma_wait3A_388 = arith.constant 0 : i32
    %dma_wait3A_389 = tpu.memref_slice %arg3[%dma_wait3A_387, %dma_wait3A_388] : memref<500000x128xf32, #tpu.memory_space<hbm>> -> memref<500000x128xf32, #tpu.memory_space<hbm>>
    tpu.wait_indirect_dma semaphore(%arg10 : memref<!tpu.dma_semaphore, #tpu.memory_space<semaphore_mem>>) src(%dma_wait3A_389 : memref<500000x128xf32, #tpu.memory_space<hbm>>) dst(%arg6 : memref<16x128xf32, #tpu.memory_space<vmem>>)
    %add3A_390 = arith.constant 256 : i32
    %add3A_391 = arith.addi %mul3A_2, %add3A_390 : i32
    %dma_start3A_392 = arith.constant 0 : i32
    %dma_start3A_393 = tpu.memref_slice %arg4[%add3A_391, %dma_start3A_392] : memref<16384x128xf32, #tpu.memory_space<hbm>> -> memref<16x128xf32, #tpu.memory_space<hbm>>
    %dma_start3A_394 = arith.constant 0 : i32
    %dma_start3A_395 = tpu.memref_slice %arg4[%add3A_391, %dma_start3A_394] : memref<16384x128xf32, #tpu.memory_space<hbm>> -> memref<16x128xf32, #tpu.memory_space<hbm>>
    tpu.enqueue_dma source(%arg6 : memref<16x128xf32, #tpu.memory_space<vmem>>) target(%dma_start3A_395 : memref<16x128xf32, #tpu.memory_space<hbm>>) target_semaphore(%arg14 : memref<!tpu.dma_semaphore, #tpu.memory_space<semaphore_mem>>)
    %dma_wait3A_396 = arith.constant 0 : i32
    %dma_wait3A_397 = tpu.memref_slice %arg4[%add3A_391, %dma_wait3A_396] : memref<16384x128xf32, #tpu.memory_space<hbm>> -> memref<16x128xf32, #tpu.memory_space<hbm>>
    %dma_wait3A_398 = arith.constant 0 : i32
    %dma_wait3A_399 = tpu.memref_slice %arg4[%add3A_391, %dma_wait3A_398] : memref<16384x128xf32, #tpu.memory_space<hbm>> -> memref<16x128xf32, #tpu.memory_space<hbm>>
    tpu.wait_dma2 semaphore(%arg14 : memref<!tpu.dma_semaphore, #tpu.memory_space<semaphore_mem>>) src(%arg6 : memref<16x128xf32, #tpu.memory_space<vmem>>) dst(%dma_wait3A_399 : memref<16x128xf32, #tpu.memory_space<hbm>>)
    %get3A_400 = arith.constant 320 : index
    %get3A_401 = tpu.vector_load %arg5[%get3A_400] {strides = array<i32>} : memref<512xi32, #tpu.memory_space<vmem>>, vector<16xi32>,
    %get3A_402 = vector.shape_cast %get3A_401 : vector<16xi32> to vector<16xi32>
    %shift_right_arithmetic3A_403 = arith.constant 1 : i32
    %shift_right_arithmetic3A_404 = vector.broadcast %shift_right_arithmetic3A_403 : i32 to vector<16xi32>
    %shift_right_arithmetic3A_405 = arith.shrsi %get3A_402, %shift_right_arithmetic3A_404 : vector<16xi32>
    %dma_start3A_406 = arith.constant 0 : i32
    %dma_start3A_407 = arith.constant 0 : i32
    %dma_start3A_408 = tpu.memref_slice %arg3[%dma_start3A_406, %dma_start3A_407] : memref<500000x128xf32, #tpu.memory_space<hbm>> -> memref<500000x128xf32, #tpu.memory_space<hbm>>
    tpu.enqueue_indirect_dma source(%dma_start3A_408 : memref<500000x128xf32, #tpu.memory_space<hbm>>) target(%arg6 : memref<16x128xf32, #tpu.memory_space<vmem>>) offsets(%shift_right_arithmetic3A_405 : vector<16xi32>) semaphore(%arg10 : memref<!tpu.dma_semaphore, #tpu.memory_space<semaphore_mem>>)
    %dma_wait3A_409 = arith.constant 0 : i32
    %dma_wait3A_410 = arith.constant 0 : i32
    %dma_wait3A_411 = tpu.memref_slice %arg3[%dma_wait3A_409, %dma_wait3A_410] : memref<500000x128xf32, #tpu.memory_space<hbm>> -> memref<500000x128xf32, #tpu.memory_space<hbm>>
    tpu.wait_indirect_dma semaphore(%arg11 : memref<!tpu.dma_semaphore, #tpu.memory_space<semaphore_mem>>) src(%dma_wait3A_411 : memref<500000x128xf32, #tpu.memory_space<hbm>>) dst(%arg7 : memref<16x128xf32, #tpu.memory_space<vmem>>)
    %add3A_412 = arith.constant 272 : i32
    %add3A_413 = arith.addi %mul3A_2, %add3A_412 : i32
    %dma_start3A_414 = arith.constant 0 : i32
    %dma_start3A_415 = tpu.memref_slice %arg4[%add3A_413, %dma_start3A_414] : memref<16384x128xf32, #tpu.memory_space<hbm>> -> memref<16x128xf32, #tpu.memory_space<hbm>>
    %dma_start3A_416 = arith.constant 0 : i32
    %dma_start3A_417 = tpu.memref_slice %arg4[%add3A_413, %dma_start3A_416] : memref<16384x128xf32, #tpu.memory_space<hbm>> -> memref<16x128xf32, #tpu.memory_space<hbm>>
    tpu.enqueue_dma source(%arg7 : memref<16x128xf32, #tpu.memory_space<vmem>>) target(%dma_start3A_417 : memref<16x128xf32, #tpu.memory_space<hbm>>) target_semaphore(%arg15 : memref<!tpu.dma_semaphore, #tpu.memory_space<semaphore_mem>>)
    %dma_wait3A_418 = arith.constant 0 : i32
    %dma_wait3A_419 = tpu.memref_slice %arg4[%add3A_413, %dma_wait3A_418] : memref<16384x128xf32, #tpu.memory_space<hbm>> -> memref<16x128xf32, #tpu.memory_space<hbm>>
    %dma_wait3A_420 = arith.constant 0 : i32
    %dma_wait3A_421 = tpu.memref_slice %arg4[%add3A_413, %dma_wait3A_420] : memref<16384x128xf32, #tpu.memory_space<hbm>> -> memref<16x128xf32, #tpu.memory_space<hbm>>
    tpu.wait_dma2 semaphore(%arg15 : memref<!tpu.dma_semaphore, #tpu.memory_space<semaphore_mem>>) src(%arg7 : memref<16x128xf32, #tpu.memory_space<vmem>>) dst(%dma_wait3A_421 : memref<16x128xf32, #tpu.memory_space<hbm>>)
    %get3A_422 = arith.constant 336 : index
    %get3A_423 = tpu.vector_load %arg5[%get3A_422] {strides = array<i32>} : memref<512xi32, #tpu.memory_space<vmem>>, vector<16xi32>,
    %get3A_424 = vector.shape_cast %get3A_423 : vector<16xi32> to vector<16xi32>
    %shift_right_arithmetic3A_425 = arith.constant 1 : i32
    %shift_right_arithmetic3A_426 = vector.broadcast %shift_right_arithmetic3A_425 : i32 to vector<16xi32>
    %shift_right_arithmetic3A_427 = arith.shrsi %get3A_424, %shift_right_arithmetic3A_426 : vector<16xi32>
    %dma_start3A_428 = arith.constant 0 : i32
    %dma_start3A_429 = arith.constant 0 : i32
    %dma_start3A_430 = tpu.memref_slice %arg3[%dma_start3A_428, %dma_start3A_429] : memref<500000x128xf32, #tpu.memory_space<hbm>> -> memref<500000x128xf32, #tpu.memory_space<hbm>>
    tpu.enqueue_indirect_dma source(%dma_start3A_430 : memref<500000x128xf32, #tpu.memory_space<hbm>>) target(%arg7 : memref<16x128xf32, #tpu.memory_space<vmem>>) offsets(%shift_right_arithmetic3A_427 : vector<16xi32>) semaphore(%arg11 : memref<!tpu.dma_semaphore, #tpu.memory_space<semaphore_mem>>)
    %dma_wait3A_431 = arith.constant 0 : i32
    %dma_wait3A_432 = arith.constant 0 : i32
    %dma_wait3A_433 = tpu.memref_slice %arg3[%dma_wait3A_431, %dma_wait3A_432] : memref<500000x128xf32, #tpu.memory_space<hbm>> -> memref<500000x128xf32, #tpu.memory_space<hbm>>
    tpu.wait_indirect_dma semaphore(%arg12 : memref<!tpu.dma_semaphore, #tpu.memory_space<semaphore_mem>>) src(%dma_wait3A_433 : memref<500000x128xf32, #tpu.memory_space<hbm>>) dst(%arg8 : memref<16x128xf32, #tpu.memory_space<vmem>>)
    %add3A_434 = arith.constant 288 : i32
    %add3A_435 = arith.addi %mul3A_2, %add3A_434 : i32
    %dma_start3A_436 = arith.constant 0 : i32
    %dma_start3A_437 = tpu.memref_slice %arg4[%add3A_435, %dma_start3A_436] : memref<16384x128xf32, #tpu.memory_space<hbm>> -> memref<16x128xf32, #tpu.memory_space<hbm>>
    %dma_start3A_438 = arith.constant 0 : i32
    %dma_start3A_439 = tpu.memref_slice %arg4[%add3A_435, %dma_start3A_438] : memref<16384x128xf32, #tpu.memory_space<hbm>> -> memref<16x128xf32, #tpu.memory_space<hbm>>
    tpu.enqueue_dma source(%arg8 : memref<16x128xf32, #tpu.memory_space<vmem>>) target(%dma_start3A_439 : memref<16x128xf32, #tpu.memory_space<hbm>>) target_semaphore(%arg16 : memref<!tpu.dma_semaphore, #tpu.memory_space<semaphore_mem>>)
    %dma_wait3A_440 = arith.constant 0 : i32
    %dma_wait3A_441 = tpu.memref_slice %arg4[%add3A_435, %dma_wait3A_440] : memref<16384x128xf32, #tpu.memory_space<hbm>> -> memref<16x128xf32, #tpu.memory_space<hbm>>
    %dma_wait3A_442 = arith.constant 0 : i32
    %dma_wait3A_443 = tpu.memref_slice %arg4[%add3A_435, %dma_wait3A_442] : memref<16384x128xf32, #tpu.memory_space<hbm>> -> memref<16x128xf32, #tpu.memory_space<hbm>>
    tpu.wait_dma2 semaphore(%arg16 : memref<!tpu.dma_semaphore, #tpu.memory_space<semaphore_mem>>) src(%arg8 : memref<16x128xf32, #tpu.memory_space<vmem>>) dst(%dma_wait3A_443 : memref<16x128xf32, #tpu.memory_space<hbm>>)
    %get3A_444 = arith.constant 352 : index
    %get3A_445 = tpu.vector_load %arg5[%get3A_444] {strides = array<i32>} : memref<512xi32, #tpu.memory_space<vmem>>, vector<16xi32>,
    %get3A_446 = vector.shape_cast %get3A_445 : vector<16xi32> to vector<16xi32>
    %shift_right_arithmetic3A_447 = arith.constant 1 : i32
    %shift_right_arithmetic3A_448 = vector.broadcast %shift_right_arithmetic3A_447 : i32 to vector<16xi32>
    %shift_right_arithmetic3A_449 = arith.shrsi %get3A_446, %shift_right_arithmetic3A_448 : vector<16xi32>
    %dma_start3A_450 = arith.constant 0 : i32
    %dma_start3A_451 = arith.constant 0 : i32
    %dma_start3A_452 = tpu.memref_slice %arg3[%dma_start3A_450, %dma_start3A_451] : memref<500000x128xf32, #tpu.memory_space<hbm>> -> memref<500000x128xf32, #tpu.memory_space<hbm>>
    tpu.enqueue_indirect_dma source(%dma_start3A_452 : memref<500000x128xf32, #tpu.memory_space<hbm>>) target(%arg8 : memref<16x128xf32, #tpu.memory_space<vmem>>) offsets(%shift_right_arithmetic3A_449 : vector<16xi32>) semaphore(%arg12 : memref<!tpu.dma_semaphore, #tpu.memory_space<semaphore_mem>>)
    %dma_wait3A_453 = arith.constant 0 : i32
    %dma_wait3A_454 = arith.constant 0 : i32
    %dma_wait3A_455 = tpu.memref_slice %arg3[%dma_wait3A_453, %dma_wait3A_454] : memref<500000x128xf32, #tpu.memory_space<hbm>> -> memref<500000x128xf32, #tpu.memory_space<hbm>>
    tpu.wait_indirect_dma semaphore(%arg13 : memref<!tpu.dma_semaphore, #tpu.memory_space<semaphore_mem>>) src(%dma_wait3A_455 : memref<500000x128xf32, #tpu.memory_space<hbm>>) dst(%arg9 : memref<16x128xf32, #tpu.memory_space<vmem>>)
    %add3A_456 = arith.constant 304 : i32
    %add3A_457 = arith.addi %mul3A_2, %add3A_456 : i32
    %dma_start3A_458 = arith.constant 0 : i32
    %dma_start3A_459 = tpu.memref_slice %arg4[%add3A_457, %dma_start3A_458] : memref<16384x128xf32, #tpu.memory_space<hbm>> -> memref<16x128xf32, #tpu.memory_space<hbm>>
    %dma_start3A_460 = arith.constant 0 : i32
    %dma_start3A_461 = tpu.memref_slice %arg4[%add3A_457, %dma_start3A_460] : memref<16384x128xf32, #tpu.memory_space<hbm>> -> memref<16x128xf32, #tpu.memory_space<hbm>>
    tpu.enqueue_dma source(%arg9 : memref<16x128xf32, #tpu.memory_space<vmem>>) target(%dma_start3A_461 : memref<16x128xf32, #tpu.memory_space<hbm>>) target_semaphore(%arg17 : memref<!tpu.dma_semaphore, #tpu.memory_space<semaphore_mem>>)
    %dma_wait3A_462 = arith.constant 0 : i32
    %dma_wait3A_463 = tpu.memref_slice %arg4[%add3A_457, %dma_wait3A_462] : memref<16384x128xf32, #tpu.memory_space<hbm>> -> memref<16x128xf32, #tpu.memory_space<hbm>>
    %dma_wait3A_464 = arith.constant 0 : i32
    %dma_wait3A_465 = tpu.memref_slice %arg4[%add3A_457, %dma_wait3A_464] : memref<16384x128xf32, #tpu.memory_space<hbm>> -> memref<16x128xf32, #tpu.memory_space<hbm>>
    tpu.wait_dma2 semaphore(%arg17 : memref<!tpu.dma_semaphore, #tpu.memory_space<semaphore_mem>>) src(%arg9 : memref<16x128xf32, #tpu.memory_space<vmem>>) dst(%dma_wait3A_465 : memref<16x128xf32, #tpu.memory_space<hbm>>)
    %get3A_466 = arith.constant 368 : index
    %get3A_467 = tpu.vector_load %arg5[%get3A_466] {strides = array<i32>} : memref<512xi32, #tpu.memory_space<vmem>>, vector<16xi32>,
    %get3A_468 = vector.shape_cast %get3A_467 : vector<16xi32> to vector<16xi32>
    %shift_right_arithmetic3A_469 = arith.constant 1 : i32
    %shift_right_arithmetic3A_470 = vector.broadcast %shift_right_arithmetic3A_469 : i32 to vector<16xi32>
    %shift_right_arithmetic3A_471 = arith.shrsi %get3A_468, %shift_right_arithmetic3A_470 : vector<16xi32>
    %dma_start3A_472 = arith.constant 0 : i32
    %dma_start3A_473 = arith.constant 0 : i32
    %dma_start3A_474 = tpu.memref_slice %arg3[%dma_start3A_472, %dma_start3A_473] : memref<500000x128xf32, #tpu.memory_space<hbm>> -> memref<500000x128xf32, #tpu.memory_space<hbm>>
    tpu.enqueue_indirect_dma source(%dma_start3A_474 : memref<500000x128xf32, #tpu.memory_space<hbm>>) target(%arg9 : memref<16x128xf32, #tpu.memory_space<vmem>>) offsets(%shift_right_arithmetic3A_471 : vector<16xi32>) semaphore(%arg13 : memref<!tpu.dma_semaphore, #tpu.memory_space<semaphore_mem>>)
    %dma_wait3A_475 = arith.constant 0 : i32
    %dma_wait3A_476 = arith.constant 0 : i32
    %dma_wait3A_477 = tpu.memref_slice %arg3[%dma_wait3A_475, %dma_wait3A_476] : memref<500000x128xf32, #tpu.memory_space<hbm>> -> memref<500000x128xf32, #tpu.memory_space<hbm>>
    tpu.wait_indirect_dma semaphore(%arg10 : memref<!tpu.dma_semaphore, #tpu.memory_space<semaphore_mem>>) src(%dma_wait3A_477 : memref<500000x128xf32, #tpu.memory_space<hbm>>) dst(%arg6 : memref<16x128xf32, #tpu.memory_space<vmem>>)
    %add3A_478 = arith.constant 320 : i32
    %add3A_479 = arith.addi %mul3A_2, %add3A_478 : i32
    %dma_start3A_480 = arith.constant 0 : i32
    %dma_start3A_481 = tpu.memref_slice %arg4[%add3A_479, %dma_start3A_480] : memref<16384x128xf32, #tpu.memory_space<hbm>> -> memref<16x128xf32, #tpu.memory_space<hbm>>
    %dma_start3A_482 = arith.constant 0 : i32
    %dma_start3A_483 = tpu.memref_slice %arg4[%add3A_479, %dma_start3A_482] : memref<16384x128xf32, #tpu.memory_space<hbm>> -> memref<16x128xf32, #tpu.memory_space<hbm>>
    tpu.enqueue_dma source(%arg6 : memref<16x128xf32, #tpu.memory_space<vmem>>) target(%dma_start3A_483 : memref<16x128xf32, #tpu.memory_space<hbm>>) target_semaphore(%arg14 : memref<!tpu.dma_semaphore, #tpu.memory_space<semaphore_mem>>)
    %dma_wait3A_484 = arith.constant 0 : i32
    %dma_wait3A_485 = tpu.memref_slice %arg4[%add3A_479, %dma_wait3A_484] : memref<16384x128xf32, #tpu.memory_space<hbm>> -> memref<16x128xf32, #tpu.memory_space<hbm>>
    %dma_wait3A_486 = arith.constant 0 : i32
    %dma_wait3A_487 = tpu.memref_slice %arg4[%add3A_479, %dma_wait3A_486] : memref<16384x128xf32, #tpu.memory_space<hbm>> -> memref<16x128xf32, #tpu.memory_space<hbm>>
    tpu.wait_dma2 semaphore(%arg14 : memref<!tpu.dma_semaphore, #tpu.memory_space<semaphore_mem>>) src(%arg6 : memref<16x128xf32, #tpu.memory_space<vmem>>) dst(%dma_wait3A_487 : memref<16x128xf32, #tpu.memory_space<hbm>>)
    %get3A_488 = arith.constant 384 : index
    %get3A_489 = tpu.vector_load %arg5[%get3A_488] {strides = array<i32>} : memref<512xi32, #tpu.memory_space<vmem>>, vector<16xi32>,
    %get3A_490 = vector.shape_cast %get3A_489 : vector<16xi32> to vector<16xi32>
    %shift_right_arithmetic3A_491 = arith.constant 1 : i32
    %shift_right_arithmetic3A_492 = vector.broadcast %shift_right_arithmetic3A_491 : i32 to vector<16xi32>
    %shift_right_arithmetic3A_493 = arith.shrsi %get3A_490, %shift_right_arithmetic3A_492 : vector<16xi32>
    %dma_start3A_494 = arith.constant 0 : i32
    %dma_start3A_495 = arith.constant 0 : i32
    %dma_start3A_496 = tpu.memref_slice %arg3[%dma_start3A_494, %dma_start3A_495] : memref<500000x128xf32, #tpu.memory_space<hbm>> -> memref<500000x128xf32, #tpu.memory_space<hbm>>
    tpu.enqueue_indirect_dma source(%dma_start3A_496 : memref<500000x128xf32, #tpu.memory_space<hbm>>) target(%arg6 : memref<16x128xf32, #tpu.memory_space<vmem>>) offsets(%shift_right_arithmetic3A_493 : vector<16xi32>) semaphore(%arg10 : memref<!tpu.dma_semaphore, #tpu.memory_space<semaphore_mem>>)
    %dma_wait3A_497 = arith.constant 0 : i32
    %dma_wait3A_498 = arith.constant 0 : i32
    %dma_wait3A_499 = tpu.memref_slice %arg3[%dma_wait3A_497, %dma_wait3A_498] : memref<500000x128xf32, #tpu.memory_space<hbm>> -> memref<500000x128xf32, #tpu.memory_space<hbm>>
    tpu.wait_indirect_dma semaphore(%arg11 : memref<!tpu.dma_semaphore, #tpu.memory_space<semaphore_mem>>) src(%dma_wait3A_499 : memref<500000x128xf32, #tpu.memory_space<hbm>>) dst(%arg7 : memref<16x128xf32, #tpu.memory_space<vmem>>)
    %add3A_500 = arith.constant 336 : i32
    %add3A_501 = arith.addi %mul3A_2, %add3A_500 : i32
    %dma_start3A_502 = arith.constant 0 : i32
    %dma_start3A_503 = tpu.memref_slice %arg4[%add3A_501, %dma_start3A_502] : memref<16384x128xf32, #tpu.memory_space<hbm>> -> memref<16x128xf32, #tpu.memory_space<hbm>>
    %dma_start3A_504 = arith.constant 0 : i32
    %dma_start3A_505 = tpu.memref_slice %arg4[%add3A_501, %dma_start3A_504] : memref<16384x128xf32, #tpu.memory_space<hbm>> -> memref<16x128xf32, #tpu.memory_space<hbm>>
    tpu.enqueue_dma source(%arg7 : memref<16x128xf32, #tpu.memory_space<vmem>>) target(%dma_start3A_505 : memref<16x128xf32, #tpu.memory_space<hbm>>) target_semaphore(%arg15 : memref<!tpu.dma_semaphore, #tpu.memory_space<semaphore_mem>>)
    %dma_wait3A_506 = arith.constant 0 : i32
    %dma_wait3A_507 = tpu.memref_slice %arg4[%add3A_501, %dma_wait3A_506] : memref<16384x128xf32, #tpu.memory_space<hbm>> -> memref<16x128xf32, #tpu.memory_space<hbm>>
    %dma_wait3A_508 = arith.constant 0 : i32
    %dma_wait3A_509 = tpu.memref_slice %arg4[%add3A_501, %dma_wait3A_508] : memref<16384x128xf32, #tpu.memory_space<hbm>> -> memref<16x128xf32, #tpu.memory_space<hbm>>
    tpu.wait_dma2 semaphore(%arg15 : memref<!tpu.dma_semaphore, #tpu.memory_space<semaphore_mem>>) src(%arg7 : memref<16x128xf32, #tpu.memory_space<vmem>>) dst(%dma_wait3A_509 : memref<16x128xf32, #tpu.memory_space<hbm>>)
    %get3A_510 = arith.constant 400 : index
    %get3A_511 = tpu.vector_load %arg5[%get3A_510] {strides = array<i32>} : memref<512xi32, #tpu.memory_space<vmem>>, vector<16xi32>,
    %get3A_512 = vector.shape_cast %get3A_511 : vector<16xi32> to vector<16xi32>
    %shift_right_arithmetic3A_513 = arith.constant 1 : i32
    %shift_right_arithmetic3A_514 = vector.broadcast %shift_right_arithmetic3A_513 : i32 to vector<16xi32>
    %shift_right_arithmetic3A_515 = arith.shrsi %get3A_512, %shift_right_arithmetic3A_514 : vector<16xi32>
    %dma_start3A_516 = arith.constant 0 : i32
    %dma_start3A_517 = arith.constant 0 : i32
    %dma_start3A_518 = tpu.memref_slice %arg3[%dma_start3A_516, %dma_start3A_517] : memref<500000x128xf32, #tpu.memory_space<hbm>> -> memref<500000x128xf32, #tpu.memory_space<hbm>>
    tpu.enqueue_indirect_dma source(%dma_start3A_518 : memref<500000x128xf32, #tpu.memory_space<hbm>>) target(%arg7 : memref<16x128xf32, #tpu.memory_space<vmem>>) offsets(%shift_right_arithmetic3A_515 : vector<16xi32>) semaphore(%arg11 : memref<!tpu.dma_semaphore, #tpu.memory_space<semaphore_mem>>)
    %dma_wait3A_519 = arith.constant 0 : i32
    %dma_wait3A_520 = arith.constant 0 : i32
    %dma_wait3A_521 = tpu.memref_slice %arg3[%dma_wait3A_519, %dma_wait3A_520] : memref<500000x128xf32, #tpu.memory_space<hbm>> -> memref<500000x128xf32, #tpu.memory_space<hbm>>
    tpu.wait_indirect_dma semaphore(%arg12 : memref<!tpu.dma_semaphore, #tpu.memory_space<semaphore_mem>>) src(%dma_wait3A_521 : memref<500000x128xf32, #tpu.memory_space<hbm>>) dst(%arg8 : memref<16x128xf32, #tpu.memory_space<vmem>>)
    %add3A_522 = arith.constant 352 : i32
    %add3A_523 = arith.addi %mul3A_2, %add3A_522 : i32
    %dma_start3A_524 = arith.constant 0 : i32
    %dma_start3A_525 = tpu.memref_slice %arg4[%add3A_523, %dma_start3A_524] : memref<16384x128xf32, #tpu.memory_space<hbm>> -> memref<16x128xf32, #tpu.memory_space<hbm>>
    %dma_start3A_526 = arith.constant 0 : i32
    %dma_start3A_527 = tpu.memref_slice %arg4[%add3A_523, %dma_start3A_526] : memref<16384x128xf32, #tpu.memory_space<hbm>> -> memref<16x128xf32, #tpu.memory_space<hbm>>
    tpu.enqueue_dma source(%arg8 : memref<16x128xf32, #tpu.memory_space<vmem>>) target(%dma_start3A_527 : memref<16x128xf32, #tpu.memory_space<hbm>>) target_semaphore(%arg16 : memref<!tpu.dma_semaphore, #tpu.memory_space<semaphore_mem>>)
    %dma_wait3A_528 = arith.constant 0 : i32
    %dma_wait3A_529 = tpu.memref_slice %arg4[%add3A_523, %dma_wait3A_528] : memref<16384x128xf32, #tpu.memory_space<hbm>> -> memref<16x128xf32, #tpu.memory_space<hbm>>
    %dma_wait3A_530 = arith.constant 0 : i32
    %dma_wait3A_531 = tpu.memref_slice %arg4[%add3A_523, %dma_wait3A_530] : memref<16384x128xf32, #tpu.memory_space<hbm>> -> memref<16x128xf32, #tpu.memory_space<hbm>>
    tpu.wait_dma2 semaphore(%arg16 : memref<!tpu.dma_semaphore, #tpu.memory_space<semaphore_mem>>) src(%arg8 : memref<16x128xf32, #tpu.memory_space<vmem>>) dst(%dma_wait3A_531 : memref<16x128xf32, #tpu.memory_space<hbm>>)
    %get3A_532 = arith.constant 416 : index
    %get3A_533 = tpu.vector_load %arg5[%get3A_532] {strides = array<i32>} : memref<512xi32, #tpu.memory_space<vmem>>, vector<16xi32>,
    %get3A_534 = vector.shape_cast %get3A_533 : vector<16xi32> to vector<16xi32>
    %shift_right_arithmetic3A_535 = arith.constant 1 : i32
    %shift_right_arithmetic3A_536 = vector.broadcast %shift_right_arithmetic3A_535 : i32 to vector<16xi32>
    %shift_right_arithmetic3A_537 = arith.shrsi %get3A_534, %shift_right_arithmetic3A_536 : vector<16xi32>
    %dma_start3A_538 = arith.constant 0 : i32
    %dma_start3A_539 = arith.constant 0 : i32
    %dma_start3A_540 = tpu.memref_slice %arg3[%dma_start3A_538, %dma_start3A_539] : memref<500000x128xf32, #tpu.memory_space<hbm>> -> memref<500000x128xf32, #tpu.memory_space<hbm>>
    tpu.enqueue_indirect_dma source(%dma_start3A_540 : memref<500000x128xf32, #tpu.memory_space<hbm>>) target(%arg8 : memref<16x128xf32, #tpu.memory_space<vmem>>) offsets(%shift_right_arithmetic3A_537 : vector<16xi32>) semaphore(%arg12 : memref<!tpu.dma_semaphore, #tpu.memory_space<semaphore_mem>>)
    %dma_wait3A_541 = arith.constant 0 : i32
    %dma_wait3A_542 = arith.constant 0 : i32
    %dma_wait3A_543 = tpu.memref_slice %arg3[%dma_wait3A_541, %dma_wait3A_542] : memref<500000x128xf32, #tpu.memory_space<hbm>> -> memref<500000x128xf32, #tpu.memory_space<hbm>>
    tpu.wait_indirect_dma semaphore(%arg13 : memref<!tpu.dma_semaphore, #tpu.memory_space<semaphore_mem>>) src(%dma_wait3A_543 : memref<500000x128xf32, #tpu.memory_space<hbm>>) dst(%arg9 : memref<16x128xf32, #tpu.memory_space<vmem>>)
    %add3A_544 = arith.constant 368 : i32
    %add3A_545 = arith.addi %mul3A_2, %add3A_544 : i32
    %dma_start3A_546 = arith.constant 0 : i32
    %dma_start3A_547 = tpu.memref_slice %arg4[%add3A_545, %dma_start3A_546] : memref<16384x128xf32, #tpu.memory_space<hbm>> -> memref<16x128xf32, #tpu.memory_space<hbm>>
    %dma_start3A_548 = arith.constant 0 : i32
    %dma_start3A_549 = tpu.memref_slice %arg4[%add3A_545, %dma_start3A_548] : memref<16384x128xf32, #tpu.memory_space<hbm>> -> memref<16x128xf32, #tpu.memory_space<hbm>>
    tpu.enqueue_dma source(%arg9 : memref<16x128xf32, #tpu.memory_space<vmem>>) target(%dma_start3A_549 : memref<16x128xf32, #tpu.memory_space<hbm>>) target_semaphore(%arg17 : memref<!tpu.dma_semaphore, #tpu.memory_space<semaphore_mem>>)
    %dma_wait3A_550 = arith.constant 0 : i32
    %dma_wait3A_551 = tpu.memref_slice %arg4[%add3A_545, %dma_wait3A_550] : memref<16384x128xf32, #tpu.memory_space<hbm>> -> memref<16x128xf32, #tpu.memory_space<hbm>>
    %dma_wait3A_552 = arith.constant 0 : i32
    %dma_wait3A_553 = tpu.memref_slice %arg4[%add3A_545, %dma_wait3A_552] : memref<16384x128xf32, #tpu.memory_space<hbm>> -> memref<16x128xf32, #tpu.memory_space<hbm>>
    tpu.wait_dma2 semaphore(%arg17 : memref<!tpu.dma_semaphore, #tpu.memory_space<semaphore_mem>>) src(%arg9 : memref<16x128xf32, #tpu.memory_space<vmem>>) dst(%dma_wait3A_553 : memref<16x128xf32, #tpu.memory_space<hbm>>)
    %get3A_554 = arith.constant 432 : index
    %get3A_555 = tpu.vector_load %arg5[%get3A_554] {strides = array<i32>} : memref<512xi32, #tpu.memory_space<vmem>>, vector<16xi32>,
    %get3A_556 = vector.shape_cast %get3A_555 : vector<16xi32> to vector<16xi32>
    %shift_right_arithmetic3A_557 = arith.constant 1 : i32
    %shift_right_arithmetic3A_558 = vector.broadcast %shift_right_arithmetic3A_557 : i32 to vector<16xi32>
    %shift_right_arithmetic3A_559 = arith.shrsi %get3A_556, %shift_right_arithmetic3A_558 : vector<16xi32>
    %dma_start3A_560 = arith.constant 0 : i32
    %dma_start3A_561 = arith.constant 0 : i32
    %dma_start3A_562 = tpu.memref_slice %arg3[%dma_start3A_560, %dma_start3A_561] : memref<500000x128xf32, #tpu.memory_space<hbm>> -> memref<500000x128xf32, #tpu.memory_space<hbm>>
    tpu.enqueue_indirect_dma source(%dma_start3A_562 : memref<500000x128xf32, #tpu.memory_space<hbm>>) target(%arg9 : memref<16x128xf32, #tpu.memory_space<vmem>>) offsets(%shift_right_arithmetic3A_559 : vector<16xi32>) semaphore(%arg13 : memref<!tpu.dma_semaphore, #tpu.memory_space<semaphore_mem>>)
    %dma_wait3A_563 = arith.constant 0 : i32
    %dma_wait3A_564 = arith.constant 0 : i32
    %dma_wait3A_565 = tpu.memref_slice %arg3[%dma_wait3A_563, %dma_wait3A_564] : memref<500000x128xf32, #tpu.memory_space<hbm>> -> memref<500000x128xf32, #tpu.memory_space<hbm>>
    tpu.wait_indirect_dma semaphore(%arg10 : memref<!tpu.dma_semaphore, #tpu.memory_space<semaphore_mem>>) src(%dma_wait3A_565 : memref<500000x128xf32, #tpu.memory_space<hbm>>) dst(%arg6 : memref<16x128xf32, #tpu.memory_space<vmem>>)
    %add3A_566 = arith.constant 384 : i32
    %add3A_567 = arith.addi %mul3A_2, %add3A_566 : i32
    %dma_start3A_568 = arith.constant 0 : i32
    %dma_start3A_569 = tpu.memref_slice %arg4[%add3A_567, %dma_start3A_568] : memref<16384x128xf32, #tpu.memory_space<hbm>> -> memref<16x128xf32, #tpu.memory_space<hbm>>
    %dma_start3A_570 = arith.constant 0 : i32
    %dma_start3A_571 = tpu.memref_slice %arg4[%add3A_567, %dma_start3A_570] : memref<16384x128xf32, #tpu.memory_space<hbm>> -> memref<16x128xf32, #tpu.memory_space<hbm>>
    tpu.enqueue_dma source(%arg6 : memref<16x128xf32, #tpu.memory_space<vmem>>) target(%dma_start3A_571 : memref<16x128xf32, #tpu.memory_space<hbm>>) target_semaphore(%arg14 : memref<!tpu.dma_semaphore, #tpu.memory_space<semaphore_mem>>)
    %dma_wait3A_572 = arith.constant 0 : i32
    %dma_wait3A_573 = tpu.memref_slice %arg4[%add3A_567, %dma_wait3A_572] : memref<16384x128xf32, #tpu.memory_space<hbm>> -> memref<16x128xf32, #tpu.memory_space<hbm>>
    %dma_wait3A_574 = arith.constant 0 : i32
    %dma_wait3A_575 = tpu.memref_slice %arg4[%add3A_567, %dma_wait3A_574] : memref<16384x128xf32, #tpu.memory_space<hbm>> -> memref<16x128xf32, #tpu.memory_space<hbm>>
    tpu.wait_dma2 semaphore(%arg14 : memref<!tpu.dma_semaphore, #tpu.memory_space<semaphore_mem>>) src(%arg6 : memref<16x128xf32, #tpu.memory_space<vmem>>) dst(%dma_wait3A_575 : memref<16x128xf32, #tpu.memory_space<hbm>>)
    %get3A_576 = arith.constant 448 : index
    %get3A_577 = tpu.vector_load %arg5[%get3A_576] {strides = array<i32>} : memref<512xi32, #tpu.memory_space<vmem>>, vector<16xi32>,
    %get3A_578 = vector.shape_cast %get3A_577 : vector<16xi32> to vector<16xi32>
    %shift_right_arithmetic3A_579 = arith.constant 1 : i32
    %shift_right_arithmetic3A_580 = vector.broadcast %shift_right_arithmetic3A_579 : i32 to vector<16xi32>
    %shift_right_arithmetic3A_581 = arith.shrsi %get3A_578, %shift_right_arithmetic3A_580 : vector<16xi32>
    %dma_start3A_582 = arith.constant 0 : i32
    %dma_start3A_583 = arith.constant 0 : i32
    %dma_start3A_584 = tpu.memref_slice %arg3[%dma_start3A_582, %dma_start3A_583] : memref<500000x128xf32, #tpu.memory_space<hbm>> -> memref<500000x128xf32, #tpu.memory_space<hbm>>
    tpu.enqueue_indirect_dma source(%dma_start3A_584 : memref<500000x128xf32, #tpu.memory_space<hbm>>) target(%arg6 : memref<16x128xf32, #tpu.memory_space<vmem>>) offsets(%shift_right_arithmetic3A_581 : vector<16xi32>) semaphore(%arg10 : memref<!tpu.dma_semaphore, #tpu.memory_space<semaphore_mem>>)
    %dma_wait3A_585 = arith.constant 0 : i32
    %dma_wait3A_586 = arith.constant 0 : i32
    %dma_wait3A_587 = tpu.memref_slice %arg3[%dma_wait3A_585, %dma_wait3A_586] : memref<500000x128xf32, #tpu.memory_space<hbm>> -> memref<500000x128xf32, #tpu.memory_space<hbm>>
    tpu.wait_indirect_dma semaphore(%arg11 : memref<!tpu.dma_semaphore, #tpu.memory_space<semaphore_mem>>) src(%dma_wait3A_587 : memref<500000x128xf32, #tpu.memory_space<hbm>>) dst(%arg7 : memref<16x128xf32, #tpu.memory_space<vmem>>)
    %add3A_588 = arith.constant 400 : i32
    %add3A_589 = arith.addi %mul3A_2, %add3A_588 : i32
    %dma_start3A_590 = arith.constant 0 : i32
    %dma_start3A_591 = tpu.memref_slice %arg4[%add3A_589, %dma_start3A_590] : memref<16384x128xf32, #tpu.memory_space<hbm>> -> memref<16x128xf32, #tpu.memory_space<hbm>>
    %dma_start3A_592 = arith.constant 0 : i32
    %dma_start3A_593 = tpu.memref_slice %arg4[%add3A_589, %dma_start3A_592] : memref<16384x128xf32, #tpu.memory_space<hbm>> -> memref<16x128xf32, #tpu.memory_space<hbm>>
    tpu.enqueue_dma source(%arg7 : memref<16x128xf32, #tpu.memory_space<vmem>>) target(%dma_start3A_593 : memref<16x128xf32, #tpu.memory_space<hbm>>) target_semaphore(%arg15 : memref<!tpu.dma_semaphore, #tpu.memory_space<semaphore_mem>>)
    %dma_wait3A_594 = arith.constant 0 : i32
    %dma_wait3A_595 = tpu.memref_slice %arg4[%add3A_589, %dma_wait3A_594] : memref<16384x128xf32, #tpu.memory_space<hbm>> -> memref<16x128xf32, #tpu.memory_space<hbm>>
    %dma_wait3A_596 = arith.constant 0 : i32
    %dma_wait3A_597 = tpu.memref_slice %arg4[%add3A_589, %dma_wait3A_596] : memref<16384x128xf32, #tpu.memory_space<hbm>> -> memref<16x128xf32, #tpu.memory_space<hbm>>
    tpu.wait_dma2 semaphore(%arg15 : memref<!tpu.dma_semaphore, #tpu.memory_space<semaphore_mem>>) src(%arg7 : memref<16x128xf32, #tpu.memory_space<vmem>>) dst(%dma_wait3A_597 : memref<16x128xf32, #tpu.memory_space<hbm>>)
    %get3A_598 = arith.constant 464 : index
    %get3A_599 = tpu.vector_load %arg5[%get3A_598] {strides = array<i32>} : memref<512xi32, #tpu.memory_space<vmem>>, vector<16xi32>,
    %get3A_600 = vector.shape_cast %get3A_599 : vector<16xi32> to vector<16xi32>
    %shift_right_arithmetic3A_601 = arith.constant 1 : i32
    %shift_right_arithmetic3A_602 = vector.broadcast %shift_right_arithmetic3A_601 : i32 to vector<16xi32>
    %shift_right_arithmetic3A_603 = arith.shrsi %get3A_600, %shift_right_arithmetic3A_602 : vector<16xi32>
    %dma_start3A_604 = arith.constant 0 : i32
    %dma_start3A_605 = arith.constant 0 : i32
    %dma_start3A_606 = tpu.memref_slice %arg3[%dma_start3A_604, %dma_start3A_605] : memref<500000x128xf32, #tpu.memory_space<hbm>> -> memref<500000x128xf32, #tpu.memory_space<hbm>>
    tpu.enqueue_indirect_dma source(%dma_start3A_606 : memref<500000x128xf32, #tpu.memory_space<hbm>>) target(%arg7 : memref<16x128xf32, #tpu.memory_space<vmem>>) offsets(%shift_right_arithmetic3A_603 : vector<16xi32>) semaphore(%arg11 : memref<!tpu.dma_semaphore, #tpu.memory_space<semaphore_mem>>)
    %dma_wait3A_607 = arith.constant 0 : i32
    %dma_wait3A_608 = arith.constant 0 : i32
    %dma_wait3A_609 = tpu.memref_slice %arg3[%dma_wait3A_607, %dma_wait3A_608] : memref<500000x128xf32, #tpu.memory_space<hbm>> -> memref<500000x128xf32, #tpu.memory_space<hbm>>
    tpu.wait_indirect_dma semaphore(%arg12 : memref<!tpu.dma_semaphore, #tpu.memory_space<semaphore_mem>>) src(%dma_wait3A_609 : memref<500000x128xf32, #tpu.memory_space<hbm>>) dst(%arg8 : memref<16x128xf32, #tpu.memory_space<vmem>>)
    %add3A_610 = arith.constant 416 : i32
    %add3A_611 = arith.addi %mul3A_2, %add3A_610 : i32
    %dma_start3A_612 = arith.constant 0 : i32
    %dma_start3A_613 = tpu.memref_slice %arg4[%add3A_611, %dma_start3A_612] : memref<16384x128xf32, #tpu.memory_space<hbm>> -> memref<16x128xf32, #tpu.memory_space<hbm>>
    %dma_start3A_614 = arith.constant 0 : i32
    %dma_start3A_615 = tpu.memref_slice %arg4[%add3A_611, %dma_start3A_614] : memref<16384x128xf32, #tpu.memory_space<hbm>> -> memref<16x128xf32, #tpu.memory_space<hbm>>
    tpu.enqueue_dma source(%arg8 : memref<16x128xf32, #tpu.memory_space<vmem>>) target(%dma_start3A_615 : memref<16x128xf32, #tpu.memory_space<hbm>>) target_semaphore(%arg16 : memref<!tpu.dma_semaphore, #tpu.memory_space<semaphore_mem>>)
    %dma_wait3A_616 = arith.constant 0 : i32
    %dma_wait3A_617 = tpu.memref_slice %arg4[%add3A_611, %dma_wait3A_616] : memref<16384x128xf32, #tpu.memory_space<hbm>> -> memref<16x128xf32, #tpu.memory_space<hbm>>
    %dma_wait3A_618 = arith.constant 0 : i32
    %dma_wait3A_619 = tpu.memref_slice %arg4[%add3A_611, %dma_wait3A_618] : memref<16384x128xf32, #tpu.memory_space<hbm>> -> memref<16x128xf32, #tpu.memory_space<hbm>>
    tpu.wait_dma2 semaphore(%arg16 : memref<!tpu.dma_semaphore, #tpu.memory_space<semaphore_mem>>) src(%arg8 : memref<16x128xf32, #tpu.memory_space<vmem>>) dst(%dma_wait3A_619 : memref<16x128xf32, #tpu.memory_space<hbm>>)
    %get3A_620 = arith.constant 480 : index
    %get3A_621 = tpu.vector_load %arg5[%get3A_620] {strides = array<i32>} : memref<512xi32, #tpu.memory_space<vmem>>, vector<16xi32>,
    %get3A_622 = vector.shape_cast %get3A_621 : vector<16xi32> to vector<16xi32>
    %shift_right_arithmetic3A_623 = arith.constant 1 : i32
    %shift_right_arithmetic3A_624 = vector.broadcast %shift_right_arithmetic3A_623 : i32 to vector<16xi32>
    %shift_right_arithmetic3A_625 = arith.shrsi %get3A_622, %shift_right_arithmetic3A_624 : vector<16xi32>
    %dma_start3A_626 = arith.constant 0 : i32
    %dma_start3A_627 = arith.constant 0 : i32
    %dma_start3A_628 = tpu.memref_slice %arg3[%dma_start3A_626, %dma_start3A_627] : memref<500000x128xf32, #tpu.memory_space<hbm>> -> memref<500000x128xf32, #tpu.memory_space<hbm>>
    tpu.enqueue_indirect_dma source(%dma_start3A_628 : memref<500000x128xf32, #tpu.memory_space<hbm>>) target(%arg8 : memref<16x128xf32, #tpu.memory_space<vmem>>) offsets(%shift_right_arithmetic3A_625 : vector<16xi32>) semaphore(%arg12 : memref<!tpu.dma_semaphore, #tpu.memory_space<semaphore_mem>>)
    %dma_wait3A_629 = arith.constant 0 : i32
    %dma_wait3A_630 = arith.constant 0 : i32
    %dma_wait3A_631 = tpu.memref_slice %arg3[%dma_wait3A_629, %dma_wait3A_630] : memref<500000x128xf32, #tpu.memory_space<hbm>> -> memref<500000x128xf32, #tpu.memory_space<hbm>>
    tpu.wait_indirect_dma semaphore(%arg13 : memref<!tpu.dma_semaphore, #tpu.memory_space<semaphore_mem>>) src(%dma_wait3A_631 : memref<500000x128xf32, #tpu.memory_space<hbm>>) dst(%arg9 : memref<16x128xf32, #tpu.memory_space<vmem>>)
    %add3A_632 = arith.constant 432 : i32
    %add3A_633 = arith.addi %mul3A_2, %add3A_632 : i32
    %dma_start3A_634 = arith.constant 0 : i32
    %dma_start3A_635 = tpu.memref_slice %arg4[%add3A_633, %dma_start3A_634] : memref<16384x128xf32, #tpu.memory_space<hbm>> -> memref<16x128xf32, #tpu.memory_space<hbm>>
    %dma_start3A_636 = arith.constant 0 : i32
    %dma_start3A_637 = tpu.memref_slice %arg4[%add3A_633, %dma_start3A_636] : memref<16384x128xf32, #tpu.memory_space<hbm>> -> memref<16x128xf32, #tpu.memory_space<hbm>>
    tpu.enqueue_dma source(%arg9 : memref<16x128xf32, #tpu.memory_space<vmem>>) target(%dma_start3A_637 : memref<16x128xf32, #tpu.memory_space<hbm>>) target_semaphore(%arg17 : memref<!tpu.dma_semaphore, #tpu.memory_space<semaphore_mem>>)
    %dma_wait3A_638 = arith.constant 0 : i32
    %dma_wait3A_639 = tpu.memref_slice %arg4[%add3A_633, %dma_wait3A_638] : memref<16384x128xf32, #tpu.memory_space<hbm>> -> memref<16x128xf32, #tpu.memory_space<hbm>>
    %dma_wait3A_640 = arith.constant 0 : i32
    %dma_wait3A_641 = tpu.memref_slice %arg4[%add3A_633, %dma_wait3A_640] : memref<16384x128xf32, #tpu.memory_space<hbm>> -> memref<16x128xf32, #tpu.memory_space<hbm>>
    tpu.wait_dma2 semaphore(%arg17 : memref<!tpu.dma_semaphore, #tpu.memory_space<semaphore_mem>>) src(%arg9 : memref<16x128xf32, #tpu.memory_space<vmem>>) dst(%dma_wait3A_641 : memref<16x128xf32, #tpu.memory_space<hbm>>)
    %get3A_642 = arith.constant 496 : index
    %get3A_643 = tpu.vector_load %arg5[%get3A_642] {strides = array<i32>} : memref<512xi32, #tpu.memory_space<vmem>>, vector<16xi32>,
    %get3A_644 = vector.shape_cast %get3A_643 : vector<16xi32> to vector<16xi32>
    %shift_right_arithmetic3A_645 = arith.constant 1 : i32
    %shift_right_arithmetic3A_646 = vector.broadcast %shift_right_arithmetic3A_645 : i32 to vector<16xi32>
    %shift_right_arithmetic3A_647 = arith.shrsi %get3A_644, %shift_right_arithmetic3A_646 : vector<16xi32>
    %dma_start3A_648 = arith.constant 0 : i32
    %dma_start3A_649 = arith.constant 0 : i32
    %dma_start3A_650 = tpu.memref_slice %arg3[%dma_start3A_648, %dma_start3A_649] : memref<500000x128xf32, #tpu.memory_space<hbm>> -> memref<500000x128xf32, #tpu.memory_space<hbm>>
    tpu.enqueue_indirect_dma source(%dma_start3A_650 : memref<500000x128xf32, #tpu.memory_space<hbm>>) target(%arg9 : memref<16x128xf32, #tpu.memory_space<vmem>>) offsets(%shift_right_arithmetic3A_647 : vector<16xi32>) semaphore(%arg13 : memref<!tpu.dma_semaphore, #tpu.memory_space<semaphore_mem>>)
    %dma_wait3A_651 = arith.constant 0 : i32
    %dma_wait3A_652 = arith.constant 0 : i32
    %dma_wait3A_653 = tpu.memref_slice %arg3[%dma_wait3A_651, %dma_wait3A_652] : memref<500000x128xf32, #tpu.memory_space<hbm>> -> memref<500000x128xf32, #tpu.memory_space<hbm>>
    tpu.wait_indirect_dma semaphore(%arg10 : memref<!tpu.dma_semaphore, #tpu.memory_space<semaphore_mem>>) src(%dma_wait3A_653 : memref<500000x128xf32, #tpu.memory_space<hbm>>) dst(%arg6 : memref<16x128xf32, #tpu.memory_space<vmem>>)
    %add3A_654 = arith.constant 448 : i32
    %add3A_655 = arith.addi %mul3A_2, %add3A_654 : i32
    %dma_start3A_656 = arith.constant 0 : i32
    %dma_start3A_657 = tpu.memref_slice %arg4[%add3A_655, %dma_start3A_656] : memref<16384x128xf32, #tpu.memory_space<hbm>> -> memref<16x128xf32, #tpu.memory_space<hbm>>
    %dma_start3A_658 = arith.constant 0 : i32
    %dma_start3A_659 = tpu.memref_slice %arg4[%add3A_655, %dma_start3A_658] : memref<16384x128xf32, #tpu.memory_space<hbm>> -> memref<16x128xf32, #tpu.memory_space<hbm>>
    tpu.enqueue_dma source(%arg6 : memref<16x128xf32, #tpu.memory_space<vmem>>) target(%dma_start3A_659 : memref<16x128xf32, #tpu.memory_space<hbm>>) target_semaphore(%arg14 : memref<!tpu.dma_semaphore, #tpu.memory_space<semaphore_mem>>)
    %dma_wait3A_660 = arith.constant 0 : i32
    %dma_wait3A_661 = arith.constant 0 : i32
    %dma_wait3A_662 = tpu.memref_slice %arg3[%dma_wait3A_660, %dma_wait3A_661] : memref<500000x128xf32, #tpu.memory_space<hbm>> -> memref<500000x128xf32, #tpu.memory_space<hbm>>
    tpu.wait_indirect_dma semaphore(%arg11 : memref<!tpu.dma_semaphore, #tpu.memory_space<semaphore_mem>>) src(%dma_wait3A_662 : memref<500000x128xf32, #tpu.memory_space<hbm>>) dst(%arg7 : memref<16x128xf32, #tpu.memory_space<vmem>>)
    %add3A_663 = arith.constant 464 : i32
    %add3A_664 = arith.addi %mul3A_2, %add3A_663 : i32
    %dma_start3A_665 = arith.constant 0 : i32
    %dma_start3A_666 = tpu.memref_slice %arg4[%add3A_664, %dma_start3A_665] : memref<16384x128xf32, #tpu.memory_space<hbm>> -> memref<16x128xf32, #tpu.memory_space<hbm>>
    %dma_start3A_667 = arith.constant 0 : i32
    %dma_start3A_668 = tpu.memref_slice %arg4[%add3A_664, %dma_start3A_667] : memref<16384x128xf32, #tpu.memory_space<hbm>> -> memref<16x128xf32, #tpu.memory_space<hbm>>
    tpu.enqueue_dma source(%arg7 : memref<16x128xf32, #tpu.memory_space<vmem>>) target(%dma_start3A_668 : memref<16x128xf32, #tpu.memory_space<hbm>>) target_semaphore(%arg15 : memref<!tpu.dma_semaphore, #tpu.memory_space<semaphore_mem>>)
    %dma_wait3A_669 = arith.constant 0 : i32
    %dma_wait3A_670 = arith.constant 0 : i32
    %dma_wait3A_671 = tpu.memref_slice %arg3[%dma_wait3A_669, %dma_wait3A_670] : memref<500000x128xf32, #tpu.memory_space<hbm>> -> memref<500000x128xf32, #tpu.memory_space<hbm>>
    tpu.wait_indirect_dma semaphore(%arg12 : memref<!tpu.dma_semaphore, #tpu.memory_space<semaphore_mem>>) src(%dma_wait3A_671 : memref<500000x128xf32, #tpu.memory_space<hbm>>) dst(%arg8 : memref<16x128xf32, #tpu.memory_space<vmem>>)
    %add3A_672 = arith.constant 480 : i32
    %add3A_673 = arith.addi %mul3A_2, %add3A_672 : i32
    %dma_start3A_674 = arith.constant 0 : i32
    %dma_start3A_675 = tpu.memref_slice %arg4[%add3A_673, %dma_start3A_674] : memref<16384x128xf32, #tpu.memory_space<hbm>> -> memref<16x128xf32, #tpu.memory_space<hbm>>
    %dma_start3A_676 = arith.constant 0 : i32
    %dma_start3A_677 = tpu.memref_slice %arg4[%add3A_673, %dma_start3A_676] : memref<16384x128xf32, #tpu.memory_space<hbm>> -> memref<16x128xf32, #tpu.memory_space<hbm>>
    tpu.enqueue_dma source(%arg8 : memref<16x128xf32, #tpu.memory_space<vmem>>) target(%dma_start3A_677 : memref<16x128xf32, #tpu.memory_space<hbm>>) target_semaphore(%arg16 : memref<!tpu.dma_semaphore, #tpu.memory_space<semaphore_mem>>)
    %dma_wait3A_678 = arith.constant 0 : i32
    %dma_wait3A_679 = arith.constant 0 : i32
    %dma_wait3A_680 = tpu.memref_slice %arg3[%dma_wait3A_678, %dma_wait3A_679] : memref<500000x128xf32, #tpu.memory_space<hbm>> -> memref<500000x128xf32, #tpu.memory_space<hbm>>
    tpu.wait_indirect_dma semaphore(%arg13 : memref<!tpu.dma_semaphore, #tpu.memory_space<semaphore_mem>>) src(%dma_wait3A_680 : memref<500000x128xf32, #tpu.memory_space<hbm>>) dst(%arg9 : memref<16x128xf32, #tpu.memory_space<vmem>>)
    %add3A_681 = arith.constant 496 : i32
    %add3A_682 = arith.addi %mul3A_2, %add3A_681 : i32
    %dma_start3A_683 = arith.constant 0 : i32
    %dma_start3A_684 = tpu.memref_slice %arg4[%add3A_682, %dma_start3A_683] : memref<16384x128xf32, #tpu.memory_space<hbm>> -> memref<16x128xf32, #tpu.memory_space<hbm>>
    %dma_start3A_685 = arith.constant 0 : i32
    %dma_start3A_686 = tpu.memref_slice %arg4[%add3A_682, %dma_start3A_685] : memref<16384x128xf32, #tpu.memory_space<hbm>> -> memref<16x128xf32, #tpu.memory_space<hbm>>
    tpu.enqueue_dma source(%arg9 : memref<16x128xf32, #tpu.memory_space<vmem>>) target(%dma_start3A_686 : memref<16x128xf32, #tpu.memory_space<hbm>>) target_semaphore(%arg17 : memref<!tpu.dma_semaphore, #tpu.memory_space<semaphore_mem>>)
    %dma_wait3A_687 = arith.constant 0 : i32
    %dma_wait3A_688 = tpu.memref_slice %arg4[%add3A_655, %dma_wait3A_687] : memref<16384x128xf32, #tpu.memory_space<hbm>> -> memref<16x128xf32, #tpu.memory_space<hbm>>
    %dma_wait3A_689 = arith.constant 0 : i32
    %dma_wait3A_690 = tpu.memref_slice %arg4[%add3A_655, %dma_wait3A_689] : memref<16384x128xf32, #tpu.memory_space<hbm>> -> memref<16x128xf32, #tpu.memory_space<hbm>>
    tpu.wait_dma2 semaphore(%arg14 : memref<!tpu.dma_semaphore, #tpu.memory_space<semaphore_mem>>) src(%arg6 : memref<16x128xf32, #tpu.memory_space<vmem>>) dst(%dma_wait3A_690 : memref<16x128xf32, #tpu.memory_space<hbm>>)
    %dma_wait3A_691 = arith.constant 0 : i32
    %dma_wait3A_692 = tpu.memref_slice %arg4[%add3A_664, %dma_wait3A_691] : memref<16384x128xf32, #tpu.memory_space<hbm>> -> memref<16x128xf32, #tpu.memory_space<hbm>>
    %dma_wait3A_693 = arith.constant 0 : i32
    %dma_wait3A_694 = tpu.memref_slice %arg4[%add3A_664, %dma_wait3A_693] : memref<16384x128xf32, #tpu.memory_space<hbm>> -> memref<16x128xf32, #tpu.memory_space<hbm>>
    tpu.wait_dma2 semaphore(%arg15 : memref<!tpu.dma_semaphore, #tpu.memory_space<semaphore_mem>>) src(%arg7 : memref<16x128xf32, #tpu.memory_space<vmem>>) dst(%dma_wait3A_694 : memref<16x128xf32, #tpu.memory_space<hbm>>)
    %dma_wait3A_695 = arith.constant 0 : i32
    %dma_wait3A_696 = tpu.memref_slice %arg4[%add3A_673, %dma_wait3A_695] : memref<16384x128xf32, #tpu.memory_space<hbm>> -> memref<16x128xf32, #tpu.memory_space<hbm>>
    %dma_wait3A_697 = arith.constant 0 : i32
    %dma_wait3A_698 = tpu.memref_slice %arg4[%add3A_673, %dma_wait3A_697] : memref<16384x128xf32, #tpu.memory_space<hbm>> -> memref<16x128xf32, #tpu.memory_space<hbm>>
    tpu.wait_dma2 semaphore(%arg16 : memref<!tpu.dma_semaphore, #tpu.memory_space<semaphore_mem>>) src(%arg8 : memref<16x128xf32, #tpu.memory_space<vmem>>) dst(%dma_wait3A_698 : memref<16x128xf32, #tpu.memory_space<hbm>>)
    %dma_wait3A_699 = arith.constant 0 : i32
    %dma_wait3A_700 = tpu.memref_slice %arg4[%add3A_682, %dma_wait3A_699] : memref<16384x128xf32, #tpu.memory_space<hbm>> -> memref<16x128xf32, #tpu.memory_space<hbm>>
    %dma_wait3A_701 = arith.constant 0 : i32
    %dma_wait3A_702 = tpu.memref_slice %arg4[%add3A_682, %dma_wait3A_701] : memref<16384x128xf32, #tpu.memory_space<hbm>> -> memref<16x128xf32, #tpu.memory_space<hbm>>
    tpu.wait_dma2 semaphore(%arg17 : memref<!tpu.dma_semaphore, #tpu.memory_space<semaphore_mem>>) src(%arg9 : memref<16x128xf32, #tpu.memory_space<vmem>>) dst(%dma_wait3A_702 : memref<16x128xf32, #tpu.memory_space<hbm>>)
    return
  }
}

module attributes {stable_mosaic.version = 14 : i64} {
  func.func @_proj_body(%arg0: i32, %arg1: memref<2048x1xi32, #tpu.memory_space<vmem>>, %arg2: memref<2048x128xf32, #tpu.memory_space<vmem>>, %arg3: memref<64x128xf32, #tpu.memory_space<vmem>>, %arg4: memref<1x128xf32, #tpu.memory_space<vmem>>, %arg5: memref<2048x128xf32, #tpu.memory_space<vmem>>) attributes {dimension_semantics = [#tpu.dimension_semantics<arbitrary>], iteration_bounds = array<i64: 8>, scalar_prefetch = 0 : i64, scratch_operands = 0 : i64, tpu.core_type = #tpu.core_type<tc>, window_params = [{transform_indices = @transform_0, window_bounds = array<i64: 2048, 1>}, {transform_indices = @transform_1, window_bounds = array<i64: 2048, 128>}, {pipeline_mode = #tpu.pipeline_mode<synchronous>, transform_indices = @transform_2, window_bounds = array<i64: 64, 128>}, {pipeline_mode = #tpu.pipeline_mode<synchronous>, transform_indices = @transform_3, window_bounds = array<i64: 1, 128>}, {transform_indices = @transform_4, window_bounds = array<i64: 2048, 128>}]} {
    %get3A = arith.constant 0 : index
    %get3A_0 = arith.constant 0 : index
    %get3A_1 = vector.load %arg2[%get3A, %get3A_0] : memref<2048x128xf32, #tpu.memory_space<vmem>>, vector<2048x128xf32>
    %get3A_2 = arith.constant 0 : index
    %get3A_3 = arith.constant 0 : index
    %get3A_4 = vector.load %arg1[%get3A_2, %get3A_3] : memref<2048x1xi32, #tpu.memory_space<vmem>>, vector<2048x1xi32>
    %and3A = arith.constant 1 : i32
    %and3A_5 = vector.broadcast %and3A : i32 to vector<2048x1xi32>
    %and3A_6 = arith.andi %get3A_4, %and3A_5 : vector<2048x1xi32>
    %eq3A = arith.constant 1 : i32
    %eq3A_7 = vector.broadcast %eq3A : i32 to vector<2048x1xi32>
    %eq3A_8 = arith.cmpi eq, %and3A_6, %eq3A_7 : vector<2048x1xi32>
    %slice3A = vector.extract_strided_slice %get3A_1 {offsets = [0, 64], sizes = [2048, 64], strides = [1, 1]} : vector<2048x128xf32> to vector<2048x64xf32>
    %slice3A_9 = vector.extract_strided_slice %get3A_1 {offsets = [0, 0], sizes = [2048, 64], strides = [1, 1]} : vector<2048x128xf32> to vector<2048x64xf32>
    %broadcast_in_dim3A = vector.shape_cast %eq3A_8 : vector<2048x1xi1> to vector<2048x1xi1>
    %broadcast_in_dim3A_10 = vector.broadcast %broadcast_in_dim3A : vector<2048x1xi1> to vector<2048x64xi1>
    %select_n3A = arith.select %broadcast_in_dim3A_10, %slice3A, %slice3A_9 : vector<2048x64xi1>, vector<2048x64xf32>
    %get3A_11 = arith.constant 0 : index
    %get3A_12 = arith.constant 0 : index
    %get3A_13 = vector.load %arg3[%get3A_11, %get3A_12] : memref<64x128xf32, #tpu.memory_space<vmem>>, vector<64x128xf32>
    %dot_general3A = arith.constant dense<0.000000e+00> : vector<2048x128xf32>
    %dot_general3A_14 = tpu.matmul %select_n3A, %get3A_13, %dot_general3A {dimension_numbers = #tpu.dot_dimension_numbers<[1], [0], [0], [1], [0, 0, 1, 1], [], []>, transpose_lhs_hint = false} : vector<2048x64xf32>, vector<64x128xf32>, vector<2048x128xf32> -> vector<2048x128xf32>
    %get3A_15 = arith.constant 0 : index
    %get3A_16 = arith.constant 0 : index
    %get3A_17 = vector.load %arg4[%get3A_15, %get3A_16] : memref<1x128xf32, #tpu.memory_space<vmem>>, vector<1x128xf32>
    %add3A = vector.broadcast %get3A_17 : vector<1x128xf32> to vector<2048x128xf32>
    %add3A_18 = arith.addf %dot_general3A_14, %add3A : vector<2048x128xf32>
    %tanh3A = math.tanh %add3A_18 : vector<2048x128xf32>
    %swap3A = arith.constant 0 : index
    %swap3A_19 = arith.constant 0 : index
    %swap3A_20 = vector.load %arg5[%swap3A, %swap3A_19] : memref<2048x128xf32, #tpu.memory_space<vmem>>, vector<2048x128xf32>
    tpu.vector_store %arg5[%swap3A, %swap3A_19], %tanh3A {strides = array<i32>} : memref<2048x128xf32, #tpu.memory_space<vmem>>, vector<2048x128xf32>,
    return
  }
  func.func @transform_0(%arg0: i32) -> (i32, i32) {
    %c0_i32 = arith.constant 0 : i32
    %c0_i32_0 = arith.constant 0 : i32
    return %arg0, %c0_i32 : i32, i32
  }
  func.func @transform_1(%arg0: i32) -> (i32, i32) {
    %c0_i32 = arith.constant 0 : i32
    %c0_i32_0 = arith.constant 0 : i32
    return %arg0, %c0_i32 : i32, i32
  }
  func.func @transform_2(%arg0: i32) -> (i32, i32) {
    %c0_i32 = arith.constant 0 : i32
    %c0_i32_0 = arith.constant 0 : i32
    %c0_i32_1 = arith.constant 0 : i32
    return %c0_i32, %c0_i32_0 : i32, i32
  }
  func.func @transform_3(%arg0: i32) -> (i32, i32) {
    %c0_i32 = arith.constant 0 : i32
    %c0_i32_0 = arith.constant 0 : i32
    %c0_i32_1 = arith.constant 0 : i32
    return %c0_i32, %c0_i32_0 : i32, i32
  }
  func.func @transform_4(%arg0: i32) -> (i32, i32) {
    %c0_i32 = arith.constant 0 : i32
    %c0_i32_0 = arith.constant 0 : i32
    return %arg0, %c0_i32 : i32, i32
  }
}

</mosaic_0001>

<sc_bundles>
// kernel: kernel.4.cloned.1.call-start
scs
__scs_entry_jumppad:
0x0: {  	(pc) =	sbr.rel $0x88, $3  }
0x1: {  	(tag) =	ssettag $0x0;
	lr =	simm.s32 $0x1  }
0x2: {  	[smem:$0x3F9D] =	sst lr;
	_ =	strace $0xD0000000  }
0x3: {  	_ = 	snop  }
0x4: {  	_ = 	snop  }
0x5: {  	_ = 	snop  }
0x6: {  	_ = 	snop  }
0x7: {  	_ = 	snop  }
__scs_overlays_trampoline_lowered:
0x8: {  	[smem:$0x3FAC] =	sst s0  }
0x9: {  	[smem:$0x3FAD] =	sst s1  }
0xa: {  	[smem:$0x3FAE] =	sst s2  }
0xb: {  	[smem:$0x3FAF] =	sst s3  }
0xc: {  	[smem:$0x3FB0] =	sst s4  }
0xd: {  	[smem:$0x3FB1] =	sst s5  }
0xe: {  	[smem:$0x3FB2] =	sst s6  }
0xf: {  	[smem:$0x3FB3] =	sst s7  }
0x10: {  	[smem:$0x3FB4] =	sst s8  }
0x11: {  	[smem:$0x3FB5] =	sst s9;
	s0 =	simm.s32 @!p0 $0x0  }
0x12: {  	s1 =	sld [smem:$0x3F9B];
	s0 =	simm.s32 @p0 $0x1  }
0x13: {  	[smem:$0x3FB6] =	sst s0;
	s0 =	simm.s32 @!p1 $0x0  }
0x14: {  	s2 =	sld [smem:$0x3F9A];
	s0 =	simm.s32 @p1 $0x1  }
0x15: {  	[smem:$0x3FB7] =	sst s0;
	s0 =	simm.s32 @!p2 $0x0  }
0x16: {  	s3 =	sld [smem:$0x3FDB];
	s0 =	simm.s32 @p2 $0x1  }
0x17: {  	s4 =	simm.s32 $0x1BF5;
	[smem:$0x3FB9] =	sst s0  }
0x18: {  	s0 =	sld [smem:$0x3F9C];
	_ =	swait.ge [sflag:s4], $0x0  }
0x19: {  	s7 =	sld [smem:$0x3F9D]  }
0x1a: {  	s8 =	sadd.s32 $0xFFFFE003, lr  }
0x1b: {  	s9 =	sadd.s32 $0xFFFFFEF7, lr;
	s5 =	simm.s32 $0xFFFFFFFF;
	p2 =	slt.u32 s8, $0xFFFFF086  }
0x1c: {  	p1 =	slt.u32 s9, $0xF7A;
	s5 =	simm.s32 @!p2 $0x0  }
0x1d: {  	s5 =	simm.s32 @p1 $0x1;
	p0 =	seq.s32 s7, s2  }
0x1e: {  	s7 =	smul.u32 @!p0 $0xF7A, s2;
	p2 =	seq.s32 @!p0 s5, $0x0  }
0x1f: {  	s9 =	smul.u32 $0xF7A, s1;
	s8 =	simm.s32 @!p0 $0x1BF5;
	p2 =	por !p2, p0  }
0x20: {  	[sflag:s8] =	ssyncset.s32 @!p0 $0xFFFFF086;
	s6 =	sadd.s32 @!p0 s3, s7;
	s7 =	simm.s32 @!p0 $0x108  }
0x21: {  	s3 =	sadd.s32 s3, s9;
	s6 =	sadd.s32 @!p0 $0x88, s6;
	s7 =	simm.s32 @p2 $0x1082  }
0x22: {  	[simem:s7], [sflag:s8] =	dma.local @!p0 [hbm:s6], $0xF7A  }
0x23: {  	s9 =	sor.u32 $0xD0000000, s2;
	s6 =	simm.s32 $0x108;
	_ =	swait.ge @!p0 [sflag:s8], $0x0  }
0x24: {  	s3 =	sadd.s32 $0x88, s3;
	s6 =	simm.s32 @!p1 $0x1082;
	[sflag:s4] =	ssyncset.s32 $0xFFFFF086  }
0x25: {  	[simem:s6], [sflag:s4] =	dma.local [hbm:s3], $0xF7A  }
0x26: {  	[smem:$0x3F9D] =	sst s1;
	(tag) =	ssettag s2;
	_ =	strace s9  }
0x27: {  	s1 =	sld [smem:$0x3FAD]  }
0x28: {  	s2 =	sld [smem:$0x3FAE]  }
0x29: {  	s4 =	sld [smem:$0x3FB0]  }
0x2a: {  	p0 =	seq.s32 s5, $0x0;
	s5 =	sld [smem:$0x3FB1]  }
0x2b: {  	s6 =	sld [smem:$0x3FB2]  }
0x2c: {  	s7 =	sld [smem:$0x3FB3]  }
0x2d: {  	s3 =	simm.s32 $0x108;
	s8 =	sld [smem:$0x3FB4]  }
0x2e: {  	s3 =	simm.s32 @!p0 $0x1082;
	s9 =	sld [smem:$0x3FB5]  }
0x2f: {  	lr =	sadd.s32 s0, s3;
	s0 =	sld [smem:$0x3FAC]  }
0x30: {  	s3 =	sld [smem:$0x3FAF]  }
0x31: {  	[smem:$0x3FB8] =	sst s10  }
0x32: {  	s10 =	sld [smem:$0x3FB6];
	_ =	sdelay $0x3  }
0x33: {  	p0 =	seq.s32 s10, $0x1;
	s10 =	sld [smem:$0x3FB8];
	_ =	sdelay $0x3  }
0x34: {  	[smem:$0x3FB8] =	sst s10  }
0x35: {  	s10 =	sld [smem:$0x3FB7];
	_ =	sdelay $0x3  }
0x36: {  	p1 =	seq.s32 s10, $0x1;
	s10 =	sld [smem:$0x3FB8];
	_ =	sdelay $0x3  }
0x37: {  	[smem:$0x3FB8] =	sst s10  }
0x38: {  	s10 =	sld [smem:$0x3FB9]  }
0x39: {  	_ = 	snop;
	(pc) =	sbr.ind lr, $3  }
0x3a: {  	_ = 	snop  }
0x3b: {  	_ = 	snop  }
0x3c: {  	p2 =	seq.s32 s10, $0x1;
	s10 =	sld [smem:$0x3FB8]  }
0x3d: {  	_ =	shalt  }
0x3e: {  	_ =	shalt  }
0x3f: {  	_ =	shalt  }
0x40: {  	_ =	shalt  }
0x41: {  	_ =	shalt  }
0x42: {  	_ =	shalt  }
0x43: {  	_ =	shalt  }
0x44: {  	_ =	shalt  }
0x45: {  	_ =	shalt  }
0x46: {  	_ =	shalt  }
0x47: {  	_ =	shalt  }
0x48: {  	_ =	shalt  }
0x49: {  	_ =	shalt  }
0x4a: {  	_ =	shalt  }
0x4b: {  	_ =	shalt  }
0x4c: {  	_ =	shalt  }
0x4d: {  	_ =	shalt  }
0x4e: {  	_ =	shalt  }
0x4f: {  	_ =	shalt  }
0x50: {  	_ =	shalt  }
0x51: {  	_ =	shalt  }
0x52: {  	_ =	shalt  }
0x53: {  	_ =	shalt  }
0x54: {  	_ =	shalt  }
0x55: {  	_ =	shalt  }
0x56: {  	_ =	shalt  }
0x57: {  	_ =	shalt  }
0x58: {  	_ =	shalt  }
0x59: {  	_ =	shalt  }
0x5a: {  	_ =	shalt  }
0x5b: {  	_ =	shalt  }
0x5c: {  	_ =	shalt  }
0x5d: {  	_ =	shalt  }
0x5e: {  	_ =	shalt  }
0x5f: {  	_ =	shalt  }
0x60: {  	_ =	shalt  }
0x61: {  	_ =	shalt  }
0x62: {  	_ =	shalt  }
0x63: {  	_ =	shalt  }
0x64: {  	_ =	shalt  }
0x65: {  	_ =	shalt  }
0x66: {  	_ =	shalt  }
0x67: {  	_ =	shalt  }
0x68: {  	_ =	shalt  }
0x69: {  	_ =	shalt  }
0x6a: {  	_ =	shalt  }
0x6b: {  	_ =	shalt  }
0x6c: {  	_ =	shalt  }
0x6d: {  	_ =	shalt  }
0x6e: {  	_ =	shalt  }
0x6f: {  	_ =	shalt  }
0x70: {  	_ =	shalt  }
0x71: {  	_ =	shalt  }
0x72: {  	_ =	shalt  }
0x73: {  	_ =	shalt  }
0x74: {  	_ =	shalt  }
0x75: {  	_ =	shalt  }
0x76: {  	_ =	shalt  }
0x77: {  	_ =	shalt  }
0x78: {  	_ =	shalt  }
0x79: {  	_ =	shalt  }
0x7a: {  	_ =	shalt  }
0x7b: {  	_ =	shalt  }
0x7c: {  	_ =	shalt  }
0x7d: {  	_ =	shalt  }
0x7e: {  	_ =	shalt  }
0x7f: {  	_ =	shalt  }
0x80: {  	_ =	shalt  }
0x81: {  	_ =	shalt  }
0x82: {  	_ =	shalt  }
0x83: {  	_ =	shalt  }
0x84: {  	_ =	shalt  }
0x85: {  	_ =	shalt  }
0x86: {  	_ =	shalt  }
0x87: {  	_ =	shalt  }
.Lfunc_end0:
.L_simem_size_0:
called_computation_lowered:
.L_overlay_start_0:
0x88: {  	s2 =	sld [smem:$0x3FD9]  }
0x89: {  	s3 =	sld [smem:$0x3FFE];
	_ =	sdelay $0x1  }
0x8a: {  	s1 =	srdreg.scid  }
0x8b: {  	s0 =	sand.u32 $0x1, s1  }
0x8c: {  	s17 =	sshll.u32 s0, $0xA;
	s2 =	sadd.s32 s3, s2  }
0x8d: {  	s2 =	sadd.s32 s2, s17  }
0x8e: {  	[smem:$0x3FC4] =	sst s2  }
0x8f: {  	_ = 	snop  }
0x90: {  	s2 =	sld [smem:$0x3FC9]  }
0x91: {  	s18 =	sld [smem:$0x3FD0];
	(tm) =	ssettm $0x1  }
0x92: {  	s4 =	sld [smem:$0x3FFB];
	_ =	sdelay $0x3  }
0x93: {  	_ =	strace s4  }
0x94: {  	s4 =	sld [smem:$0x3FFC];
	_ =	sdelay $0x3  }
0x95: {  	_ =	strace s4  }
0x96: {  	s4 =	sld [smem:$0x3FFD];
	_ =	sdelay $0x3  }
0x97: {  	_ =	strace s4  }
0x98: {  	_ =	strace $0x8FFFFFFF  }
0x99: {  	s19 =	sld [smem:$0x3FDB];
	_ =	sdelay $0x1  }
0x9a: {  	s5 =	simm.s32 $_scs_section_size  }
0x9b: {  	s6 =	simm.s32 $_size__tile_overlayer_lowered;
	s7 =	simm.s32 $_tile_overlayer_lowered  }
0x9c: {  	s22 =	simm.s32 $0x1BFF;
	s21 =	sshll.u32 s7, $0x1;
	s4 =	sadd.s32 s5, s19  }
0x9d: {  	s8 =	simm.s32 $0x0;
	s20 =	sshll.u32 s6, $0x1;
	s6 =	sadd.s32 s21, s4  }
0x9e: {  	[timem:s8], [sflag:s22] =	dma.local [hbm:s6], s20  }
0x9f: {  	_ =	swait.ge [sflag:s22], s20  }
0xa0: {  	s5 =	ssub.s32 $0x0, s20;
	[sflag:s22] =	ssyncset.done $0x0  }
0xa1: {  	[sflag:s22] =	ssyncadd.s32 s5;
	_ =	sdelay $0x1  }
0xa2: {  	s23 =	simm.s32 $0x1B8B  }
0xa3: {  	_ =	swait.ge [sflag:s23], $0x1  }
0xa4: {  	[sflag:s23] =	ssyncset.done $0x0  }
0xa5: {  	s25 =	simm.s32 $0x1B8E;
	s24 =	sld [smem:$0x3FFE];
	[sflag:s23] =	ssyncadd.s32 $0xFFFFFFFF  }
0xa6: {  	s26 =	simm.s32 $execute0_lowered;
	[smem:$0x3FD2] =	sst s25  }
0xa7: {  	s6 =	sshll.u32 s26, $0x1;
	_ =	strace $0x80000046;
	[dreg:$0x1] =	wrdreg $0xFFFFFFFF  }
0xa8: {  	s28 =	simm.s32 $_size_execute0_lowered;
	s4 =	sadd.s32 s4, s6;
	[dreg:$0x0] =	wrdreg $0x0  }
0xa9: {  	s6 =	sshll.u32 s28, $0x1;
	[dreg:$0x2] =	wrdreg s4  }
0xaa: {  	[dreg:$0x3] =	wrdreg s6  }
0xab: {  	[dreg:$0x4] =	wrdreg $0xC0  }
0xac: {  	_ =	task [dreg:s8], $0x5FFFF  }
0xad: {  	[dreg:$0x1] =	wrdreg $0xFFFFFFFF  }
0xae: {  	[dreg:$0x0] =	wrdreg $0x60  }
0xaf: {  	[dreg:$0x2] =	wrdreg s2  }
0xb0: {  	[dreg:$0x3] =	wrdreg s24  }
0xb1: {  	[dreg:$0x4] =	wrdreg s18  }
0xb2: {  	[dreg:$0x5] =	wrdreg $0x9  }
0xb3: {  	_ =	task.clear_ibuf [dreg:s8], $0x6FFFF;
	_ =	strace $0x90000046  }
0xb4: {  	s29 =	simm.s32 $0x9;
	_ =	strace $0x80000048  }
0xb5: {  	_ =	swait.ge [sflag:s29], $0x1  }
0xb6: {  	[sflag:s29] =	ssyncadd.s32 $0xFFFFFFFF  }
0xb7: {  	_ =	strace $0x90000048  }
0xb8: {  	_ =	sfence  }
0xb9: {  	s30 =	sld [smem:$0x0];
	_ =	sdelay $0x2  }
0xba: {  	s31 =	sshll.u32 s1, $0xD;
	s1 =	sshrl.u32 s1, $0x2  }
0xbb: {  	s3 =	sand.u32 $0x4000, s31;
	s1 =	sadd.s32 s1, s30  }
0xbc: {  	s0 =	sor.u32 s3, s0;
	s1 =	sshll.u32 s1, $0x11  }
0xbd: {  	s0 =	sor.u32 s1, s0  }
0xbe: {  	s0 =	sadd.s32 $0x8F2B, s0  }
0xbf: {  	[sflag:s0] =	ssyncadd.remote.s32 $0x1  }
0xc0: {  	_ =	sfence.sel $0xFFFF  }
0xc1: {  	[dreg:$0x0] =	wrdreg $0xFFFFFFFF;
	(pc) =	sbr.abs _section_cstart, $3  }
0xc2: {  	[dreg:$0x1] =	wrdreg $0xFFFFFFFF  }
0xc3: {  	_ =	task.clear_ibuf [dreg:s8], $0x2FFFF;
	_ =	strace $0x9FFFFFFF  }
0xc4: {  	(tm) =	ssettm $0x7FFFFFFF  }
0xc5: {  	_ =	shalt  }
tec
execute0_lowered:
.L_overlay_start_1:
0x0: {  	(tag) =	ssettag $0x1  }
0x1: {  	s2 =	srdreg.scid  }
0x2: {  	s1 =	rddreg [dreg:$0x0];
	s0 =	stileid.u32;
	s5 =	sand.u32 $0x1, s2  }
0x3: {  	s4 =	rddreg [dreg:$0x1];
	s6 =	sshll.u32 s0, $0xA;
	s7 =	sshll.u32 s5, $0x9  }
0x4: {  	s3 =	rddreg [dreg:$0x2];
	s6 =	sor.u32 s7, s6  }
0x5: {  	s2 =	simm.s32 $0x0;
	s7 =	sshrl.u32 s6, $0x3;
	s6 =	sshll.u32 s6, $0x4  }
0x6: {  	[smem:$0x7FF] =	sst s2;
	s1 =	sadd.s32 s1, s7;
	s3 =	sadd.s32 s3, s6  }
0x7: {  	_ =	strace $0x80000047;
	[dreg:$0x4] =	wrdreg s1;
	s8 =	sadd.s32 $0x100, s3  }
0x8: {  	s9 =	sadd.s32 $0x200, s3;
	[dreg:$0x5] =	wrdreg s8  }
0x9: {  	s10 =	sadd.s32 $0x300, s3;
	[dreg:$0x6] =	wrdreg s9  }
0xa: {  	s11 =	sadd.s32 $0x400, s3;
	[dreg:$0x7] =	wrdreg s10  }
0xb: {  	s12 =	sadd.s32 $0x500, s3;
	[dreg:$0x8] =	wrdreg s11  }
0xc: {  	s13 =	sadd.s32 $0x600, s3;
	[dreg:$0x9] =	wrdreg s12  }
0xd: {  	s14 =	sadd.s32 $0x700, s3;
	[dreg:$0xa] =	wrdreg s13  }
0xe: {  	s28 =	simm.s32 $0x6;
	s15 =	sadd.s32 $0x800, s3;
	[dreg:$0xb] =	wrdreg s14  }
0xf: {  	s29 =	simm.s32 $0x3;
	s16 =	sadd.s32 $0x900, s3;
	[dreg:$0xc] =	wrdreg s15  }
0x10: {  	s30 =	simm.s32 $0x7;
	s17 =	sadd.s32 $0xA00, s3;
	[dreg:$0xd] =	wrdreg s16  }
0x11: {  	s31 =	simm.s32 $0x4;
	s18 =	sadd.s32 $0xB00, s3;
	[dreg:$0xe] =	wrdreg s17  }
0x12: {  	s4 =	sadd.s32 $0xF43000, s4;
	s19 =	sadd.s32 $0xC00, s3;
	[dreg:$0xf] =	wrdreg s18  }
0x13: {  	s5 =	ssub.s32 $0x2, s5;
	s20 =	sadd.s32 $0xD00, s3;
	[dreg:$0x10] =	wrdreg s19  }
0x14: {  	s25 =	sshrl.u32 s5, $0x1;
	s21 =	sadd.s32 $0xE00, s3;
	[dreg:$0x11] =	wrdreg s20  }
0x15: {  	s22 =	sadd.s32 $0xF00, s3;
	s23 =	sadd.s32 $0x1000, s3;
	[dreg:$0x12] =	wrdreg s21  }
0x16: {  	s24 =	sadd.s32 $0x1100, s3;
	s26 =	sadd.s32 $0x1200, s3;
	[dreg:$0x13] =	wrdreg s22  }
0x17: {  	s6 =	sadd.s32 $0x1400, s3;
	s7 =	sadd.s32 $0x1500, s3;
	[dreg:$0x14] =	wrdreg s23  }
0x18: {  	s1 =	simm.s32 $0x8;
	[dreg:$0x15] =	wrdreg s24;
	s18 =	ssub.s32 s5, s25  }
0x19: {  	[dreg:$0x16] =	wrdreg s26;
	s5 =	sadd.s32 $0x1300, s3;
	s8 =	sadd.s32 $0x1600, s3  }
0x1a: {  	s9 =	sadd.s32 $0x1700, s3;
	s10 =	sadd.s32 $0x1800, s3;
	s11 =	sadd.s32 $0x1900, s3  }
0x1b: {  	s12 =	sadd.s32 $0x1A00, s3;
	s13 =	sadd.s32 $0x1B00, s3;
	s14 =	sadd.s32 $0x1C00, s3  }
0x1c: {  	s15 =	sadd.s32 $0x1D00, s3;
	s16 =	sadd.s32 $0x1E00, s3;
	s17 =	sadd.s32 $0x1F00, s3  }
0x1d: {  	s19 =	simm.s32 $0x9;
	s20 =	simm.s32 $0x200;
	s21 =	simm.s32 $0xA00  }
0x1e: {  	s22 =	simm.s32 $0x1200;
	s23 =	simm.s32 $0x1A00;
	s24 =	simm.s32 $0x1  }
0x1f: {  	vm0 =	vmmov $0xffff;
	s25 =	simm.s32 $0x5;
	s26 =	simm.s32 $0x2;
	s18 =	smax.u32 s18, $0x1  }
.LBB2_1:
0x20: {  	s0 =	rddreg [dreg:$0x4]  }
0x21: {  	[tilespmem:s2], [sflag:$0x9] =	stream.linear.gather [hbm4b:s0+s2], $0x200, $0x38;
	[tilespmem:$0x2200] =	vst v63  }
0x22: {  	_ =	swait.ge [sflag:s19], $0x200  }
0x23: {  	[sflag:s19] =	ssyncset.done $0x0  }
0x24: {  	[sflag:s19] =	ssyncadd.s32 $0xFFFFFE00  }
0x25: {  	v0 =	vld [tilespmem:$0x0];
	_ =	sdelay $0x4  }
0x26: {  	v0 =	vshra.s32 v0, $0x1;
	_ =	sdelay $0x4  }
0x27: {  	[tilespmem:s20], [sflag:$0x1] =	stream.indirect_vreg.gather [hbm4b:s4+s2], $0x80, v0, vm0, $0xb8;
	[tilespmem:$0x2200] =	vst v63  }
0x28: {  	v0 =	vld [tilespmem:$0x10];
	_ =	sdelay $0x4  }
0x29: {  	v0 =	vshra.s32 v0, $0x1;
	_ =	sdelay $0x4  }
0x2a: {  	[tilespmem:s21], [sflag:$0x2] =	stream.indirect_vreg.gather [hbm4b:s4+s2], $0x80, v0, vm0, $0xb8;
	[tilespmem:$0x2200] =	vst v63  }
0x2b: {  	v0 =	vld [tilespmem:$0x20];
	_ =	sdelay $0x4  }
0x2c: {  	v0 =	vshra.s32 v0, $0x1;
	_ =	sdelay $0x4  }
0x2d: {  	[tilespmem:s22], [sflag:$0x3] =	stream.indirect_vreg.gather [hbm4b:s4+s2], $0x80, v0, vm0, $0xb8;
	[tilespmem:$0x2200] =	vst v63  }
0x2e: {  	v0 =	vld [tilespmem:$0x30];
	_ =	sdelay $0x4  }
0x2f: {  	v0 =	vshra.s32 v0, $0x1;
	_ =	sdelay $0x4  }
0x30: {  	[tilespmem:s23], [sflag:$0x4] =	stream.indirect_vreg.gather [hbm4b:s4+s2], $0x80, v0, vm0, $0xb8;
	[tilespmem:$0x2200] =	vst v63  }
0x31: {  	_ =	swait.ge [sflag:s24], $0x800  }
0x32: {  	[sflag:s24] =	ssyncset.done $0x0  }
0x33: {  	[sflag:s24] =	ssyncadd.s32 $0xFFFFF800  }
0x34: {  	[hbm4b:s3+s2] =	stream.linear.scatter [tilespmem:s20], [sflag:$0x5], $0x800, $0x38;
	[tilespmem:$0x2200] =	vst v63  }
0x35: {  	_ =	swait.ge [sflag:s25], $0x800  }
0x36: {  	[sflag:s25] =	ssyncset.done $0x0  }
0x37: {  	[sflag:s25] =	ssyncadd.s32 $0xFFFFF800  }
0x38: {  	v36 =	vld [tilespmem:$0x40];
	_ =	sdelay $0x4  }
0x39: {  	v0 =	vshra.s32 v36, $0x1;
	_ =	sdelay $0x4  }
0x3a: {  	[tilespmem:s20], [sflag:$0x1] =	stream.indirect_vreg.gather [hbm4b:s4+s2], $0x80, v0, vm0, $0xb8;
	[tilespmem:$0x2200] =	vst v63  }
0x3b: {  	_ =	swait.ge [sflag:s26], $0x800  }
0x3c: {  	[sflag:s26] =	ssyncset.done $0x0  }
0x3d: {  	s0 =	rddreg [dreg:$0x5];
	[sflag:s26] =	ssyncadd.s32 $0xFFFFF800  }
0x3e: {  	[hbm4b:s0+s2] =	stream.linear.scatter [tilespmem:s21], [sflag:$0x6], $0x800, $0x38;
	[tilespmem:$0x2200] =	vst v63  }
0x3f: {  	_ =	swait.ge [sflag:s28], $0x800  }
0x40: {  	[sflag:s28] =	ssyncset.done $0x0  }
0x41: {  	[sflag:s28] =	ssyncadd.s32 $0xFFFFF800  }
0x42: {  	v37 =	vld [tilespmem:$0x50];
	_ =	sdelay $0x4  }
0x43: {  	v0 =	vshra.s32 v37, $0x1;
	_ =	sdelay $0x4  }
0x44: {  	[tilespmem:s21], [sflag:$0x2] =	stream.indirect_vreg.gather [hbm4b:s4+s2], $0x80, v0, vm0, $0xb8;
	[tilespmem:$0x2200] =	vst v63  }
0x45: {  	_ =	swait.ge [sflag:s29], $0x800  }
0x46: {  	[sflag:s29] =	ssyncset.done $0x0  }
0x47: {  	s0 =	rddreg [dreg:$0x6];
	[sflag:s29] =	ssyncadd.s32 $0xFFFFF800  }
0x48: {  	[hbm4b:s0+s2] =	stream.linear.scatter [tilespmem:s22], [sflag:$0x7], $0x800, $0x38;
	[tilespmem:$0x2200] =	vst v63  }
0x49: {  	_ =	swait.ge [sflag:s30], $0x800  }
0x4a: {  	[sflag:s30] =	ssyncset.done $0x0  }
0x4b: {  	[sflag:s30] =	ssyncadd.s32 $0xFFFFF800  }
0x4c: {  	v38 =	vld [tilespmem:$0x60];
	_ =	sdelay $0x4  }
0x4d: {  	v0 =	vshra.s32 v38, $0x1;
	_ =	sdelay $0x4  }
0x4e: {  	[tilespmem:s22], [sflag:$0x3] =	stream.indirect_vreg.gather [hbm4b:s4+s2], $0x80, v0, vm0, $0xb8;
	[tilespmem:$0x2200] =	vst v63  }
0x4f: {  	_ =	swait.ge [sflag:s31], $0x800  }
0x50: {  	[sflag:s31] =	ssyncset.done $0x0  }
0x51: {  	s0 =	rddreg [dreg:$0x7];
	[sflag:s31] =	ssyncadd.s32 $0xFFFFF800  }
0x52: {  	[hbm4b:s0+s2] =	stream.linear.scatter [tilespmem:s23], [sflag:$0x8], $0x800, $0x38;
	[tilespmem:$0x2200] =	vst v63  }
0x53: {  	_ =	swait.ge [sflag:s1], $0x800  }
0x54: {  	[sflag:s1] =	ssyncset.done $0x0  }
0x55: {  	[sflag:s1] =	ssyncadd.s32 $0xFFFFF800  }
0x56: {  	v39 =	vld [tilespmem:$0x70];
	_ =	sdelay $0x4  }
0x57: {  	v0 =	vshra.s32 v39, $0x1;
	_ =	sdelay $0x4  }
0x58: {  	[tilespmem:s23], [sflag:$0x4] =	stream.indirect_vreg.gather [hbm4b:s4+s2], $0x80, v0, vm0, $0xb8;
	[tilespmem:$0x2200] =	vst v63  }
0x59: {  	_ =	swait.ge [sflag:s24], $0x800  }
0x5a: {  	[sflag:s24] =	ssyncset.done $0x0  }
0x5b: {  	s0 =	rddreg [dreg:$0x8];
	[sflag:s24] =	ssyncadd.s32 $0xFFFFF800  }
0x5c: {  	[hbm4b:s0+s2] =	stream.linear.scatter [tilespmem:s20], [sflag:$0x5], $0x800, $0x38;
	[tilespmem:$0x2200] =	vst v63  }
0x5d: {  	_ =	swait.ge [sflag:s25], $0x800  }
0x5e: {  	[sflag:s25] =	ssyncset.done $0x0  }
0x5f: {  	[sflag:s25] =	ssyncadd.s32 $0xFFFFF800  }
0x60: {  	v40 =	vld [tilespmem:$0x80];
	_ =	sdelay $0x4  }
0x61: {  	v0 =	vshra.s32 v40, $0x1;
	_ =	sdelay $0x4  }
0x62: {  	[tilespmem:s20], [sflag:$0x1] =	stream.indirect_vreg.gather [hbm4b:s4+s2], $0x80, v0, vm0, $0xb8;
	[tilespmem:$0x2200] =	vst v63  }
0x63: {  	_ =	swait.ge [sflag:s26], $0x800  }
0x64: {  	[sflag:s26] =	ssyncset.done $0x0  }
0x65: {  	s0 =	rddreg [dreg:$0x9];
	[sflag:s26] =	ssyncadd.s32 $0xFFFFF800  }
0x66: {  	[hbm4b:s0+s2] =	stream.linear.scatter [tilespmem:s21], [sflag:$0x6], $0x800, $0x38;
	[tilespmem:$0x2200] =	vst v63  }
0x67: {  	_ =	swait.ge [sflag:s28], $0x800  }
0x68: {  	[sflag:s28] =	ssyncset.done $0x0  }
0x69: {  	[sflag:s28] =	ssyncadd.s32 $0xFFFFF800  }
0x6a: {  	v41 =	vld [tilespmem:$0x90];
	_ =	sdelay $0x4  }
0x6b: {  	v0 =	vshra.s32 v41, $0x1;
	_ =	sdelay $0x4  }
0x6c: {  	[tilespmem:s21], [sflag:$0x2] =	stream.indirect_vreg.gather [hbm4b:s4+s2], $0x80, v0, vm0, $0xb8;
	[tilespmem:$0x2200] =	vst v63  }
0x6d: {  	_ =	swait.ge [sflag:s29], $0x800  }
0x6e: {  	[sflag:s29] =	ssyncset.done $0x0  }
0x6f: {  	s0 =	rddreg [dreg:$0xa];
	[sflag:s29] =	ssyncadd.s32 $0xFFFFF800  }
0x70: {  	[hbm4b:s0+s2] =	stream.linear.scatter [tilespmem:s22], [sflag:$0x7], $0x800, $0x38;
	[tilespmem:$0x2200] =	vst v63  }
0x71: {  	_ =	swait.ge [sflag:s30], $0x800  }
0x72: {  	[sflag:s30] =	ssyncset.done $0x0  }
0x73: {  	[sflag:s30] =	ssyncadd.s32 $0xFFFFF800  }
0x74: {  	v42 =	vld [tilespmem:$0xA0];
	_ =	sdelay $0x4  }
0x75: {  	v0 =	vshra.s32 v42, $0x1;
	_ =	sdelay $0x4  }
0x76: {  	[tilespmem:s22], [sflag:$0x3] =	stream.indirect_vreg.gather [hbm4b:s4+s2], $0x80, v0, vm0, $0xb8;
	[tilespmem:$0x2200] =	vst v63  }
0x77: {  	_ =	swait.ge [sflag:s31], $0x800  }
0x78: {  	[sflag:s31] =	ssyncset.done $0x0  }
0x79: {  	s0 =	rddreg [dreg:$0xb];
	[sflag:s31] =	ssyncadd.s32 $0xFFFFF800  }
0x7a: {  	[hbm4b:s0+s2] =	stream.linear.scatter [tilespmem:s23], [sflag:$0x8], $0x800, $0x38;
	[tilespmem:$0x2200] =	vst v63  }
0x7b: {  	_ =	swait.ge [sflag:s1], $0x800  }
0x7c: {  	[sflag:s1] =	ssyncset.done $0x0  }
0x7d: {  	[sflag:s1] =	ssyncadd.s32 $0xFFFFF800  }
0x7e: {  	v43 =	vld [tilespmem:$0xB0];
	_ =	sdelay $0x4  }
0x7f: {  	v0 =	vshra.s32 v43, $0x1;
	_ =	sdelay $0x4  }
0x80: {  	[tilespmem:s23], [sflag:$0x4] =	stream.indirect_vreg.gather [hbm4b:s4+s2], $0x80, v0, vm0, $0xb8;
	[tilespmem:$0x2200] =	vst v63  }
0x81: {  	_ =	swait.ge [sflag:s24], $0x800  }
0x82: {  	[sflag:s24] =	ssyncset.done $0x0  }
0x83: {  	s0 =	rddreg [dreg:$0xc];
	[sflag:s24] =	ssyncadd.s32 $0xFFFFF800  }
0x84: {  	[hbm4b:s0+s2] =	stream.linear.scatter [tilespmem:s20], [sflag:$0x5], $0x800, $0x38;
	[tilespmem:$0x2200] =	vst v63  }
0x85: {  	_ =	swait.ge [sflag:s25], $0x800  }
0x86: {  	[sflag:s25] =	ssyncset.done $0x0  }
0x87: {  	[sflag:s25] =	ssyncadd.s32 $0xFFFFF800  }
0x88: {  	v44 =	vld [tilespmem:$0xC0];
	_ =	sdelay $0x4  }
0x89: {  	v0 =	vshra.s32 v44, $0x1;
	_ =	sdelay $0x4  }
0x8a: {  	[tilespmem:s20], [sflag:$0x1] =	stream.indirect_vreg.gather [hbm4b:s4+s2], $0x80, v0, vm0, $0xb8;
	[tilespmem:$0x2200] =	vst v63  }
0x8b: {  	_ =	swait.ge [sflag:s26], $0x800  }
0x8c: {  	[sflag:s26] =	ssyncset.done $0x0  }
0x8d: {  	s0 =	rddreg [dreg:$0xd];
	[sflag:s26] =	ssyncadd.s32 $0xFFFFF800  }
0x8e: {  	[hbm4b:s0+s2] =	stream.linear.scatter [tilespmem:s21], [sflag:$0x6], $0x800, $0x38;
	[tilespmem:$0x2200] =	vst v63  }
0x8f: {  	_ =	swait.ge [sflag:s28], $0x800  }
0x90: {  	[sflag:s28] =	ssyncset.done $0x0  }
0x91: {  	[sflag:s28] =	ssyncadd.s32 $0xFFFFF800  }
0x92: {  	v45 =	vld [tilespmem:$0xD0];
	_ =	sdelay $0x4  }
0x93: {  	v0 =	vshra.s32 v45, $0x1;
	_ =	sdelay $0x4  }
0x94: {  	[tilespmem:s21], [sflag:$0x2] =	stream.indirect_vreg.gather [hbm4b:s4+s2], $0x80, v0, vm0, $0xb8;
	[tilespmem:$0x2200] =	vst v63  }
0x95: {  	_ =	swait.ge [sflag:s29], $0x800  }
0x96: {  	[sflag:s29] =	ssyncset.done $0x0  }
0x97: {  	s0 =	rddreg [dreg:$0xe];
	[sflag:s29] =	ssyncadd.s32 $0xFFFFF800  }
0x98: {  	[hbm4b:s0+s2] =	stream.linear.scatter [tilespmem:s22], [sflag:$0x7], $0x800, $0x38;
	[tilespmem:$0x2200] =	vst v63  }
0x99: {  	_ =	swait.ge [sflag:s30], $0x800  }
0x9a: {  	[sflag:s30] =	ssyncset.done $0x0  }
0x9b: {  	[sflag:s30] =	ssyncadd.s32 $0xFFFFF800  }
0x9c: {  	v46 =	vld [tilespmem:$0xE0];
	_ =	sdelay $0x4  }
0x9d: {  	v0 =	vshra.s32 v46, $0x1;
	_ =	sdelay $0x4  }
0x9e: {  	[tilespmem:s22], [sflag:$0x3] =	stream.indirect_vreg.gather [hbm4b:s4+s2], $0x80, v0, vm0, $0xb8;
	[tilespmem:$0x2200] =	vst v63  }
0x9f: {  	_ =	swait.ge [sflag:s31], $0x800  }
0xa0: {  	[sflag:s31] =	ssyncset.done $0x0  }
0xa1: {  	s0 =	rddreg [dreg:$0xf];
	[sflag:s31] =	ssyncadd.s32 $0xFFFFF800  }
0xa2: {  	[hbm4b:s0+s2] =	stream.linear.scatter [tilespmem:s23], [sflag:$0x8], $0x800, $0x38;
	[tilespmem:$0x2200] =	vst v63  }
0xa3: {  	_ =	swait.ge [sflag:s1], $0x800  }
0xa4: {  	[sflag:s1] =	ssyncset.done $0x0  }
0xa5: {  	[sflag:s1] =	ssyncadd.s32 $0xFFFFF800  }
0xa6: {  	v47 =	vld [tilespmem:$0xF0];
	_ =	sdelay $0x4  }
0xa7: {  	v0 =	vshra.s32 v47, $0x1;
	_ =	sdelay $0x4  }
0xa8: {  	[tilespmem:s23], [sflag:$0x4] =	stream.indirect_vreg.gather [hbm4b:s4+s2], $0x80, v0, vm0, $0xb8;
	[tilespmem:$0x2200] =	vst v63  }
0xa9: {  	_ =	swait.ge [sflag:s24], $0x800  }
0xaa: {  	[sflag:s24] =	ssyncset.done $0x0  }
0xab: {  	s0 =	rddreg [dreg:$0x10];
	[sflag:s24] =	ssyncadd.s32 $0xFFFFF800  }
0xac: {  	[hbm4b:s0+s2] =	stream.linear.scatter [tilespmem:s20], [sflag:$0x5], $0x800, $0x38;
	[tilespmem:$0x2200] =	vst v63  }
0xad: {  	_ =	swait.ge [sflag:s25], $0x800  }
0xae: {  	[sflag:s25] =	ssyncset.done $0x0  }
0xaf: {  	[sflag:s25] =	ssyncadd.s32 $0xFFFFF800  }
0xb0: {  	v48 =	vld [tilespmem:$0x100];
	_ =	sdelay $0x4  }
0xb1: {  	v0 =	vshra.s32 v48, $0x1;
	_ =	sdelay $0x4  }
0xb2: {  	[tilespmem:s20], [sflag:$0x1] =	stream.indirect_vreg.gather [hbm4b:s4+s2], $0x80, v0, vm0, $0xb8;
	[tilespmem:$0x2200] =	vst v63  }
0xb3: {  	_ =	swait.ge [sflag:s26], $0x800  }
0xb4: {  	[sflag:s26] =	ssyncset.done $0x0  }
0xb5: {  	s0 =	rddreg [dreg:$0x11];
	[sflag:s26] =	ssyncadd.s32 $0xFFFFF800  }
0xb6: {  	[hbm4b:s0+s2] =	stream.linear.scatter [tilespmem:s21], [sflag:$0x6], $0x800, $0x38;
	[tilespmem:$0x2200] =	vst v63  }
0xb7: {  	_ =	swait.ge [sflag:s28], $0x800  }
0xb8: {  	[sflag:s28] =	ssyncset.done $0x0  }
0xb9: {  	[sflag:s28] =	ssyncadd.s32 $0xFFFFF800  }
0xba: {  	v49 =	vld [tilespmem:$0x110];
	_ =	sdelay $0x4  }
0xbb: {  	v0 =	vshra.s32 v49, $0x1;
	_ =	sdelay $0x4  }
0xbc: {  	[tilespmem:s21], [sflag:$0x2] =	stream.indirect_vreg.gather [hbm4b:s4+s2], $0x80, v0, vm0, $0xb8;
	[tilespmem:$0x2200] =	vst v63  }
0xbd: {  	_ =	swait.ge [sflag:s29], $0x800  }
0xbe: {  	[sflag:s29] =	ssyncset.done $0x0  }
0xbf: {  	s0 =	rddreg [dreg:$0x12];
	[sflag:s29] =	ssyncadd.s32 $0xFFFFF800  }
0xc0: {  	[hbm4b:s0+s2] =	stream.linear.scatter [tilespmem:s22], [sflag:$0x7], $0x800, $0x38;
	[tilespmem:$0x2200] =	vst v63  }
0xc1: {  	_ =	swait.ge [sflag:s30], $0x800  }
0xc2: {  	[sflag:s30] =	ssyncset.done $0x0  }
0xc3: {  	[sflag:s30] =	ssyncadd.s32 $0xFFFFF800  }
0xc4: {  	v50 =	vld [tilespmem:$0x120];
	_ =	sdelay $0x4  }
0xc5: {  	v0 =	vshra.s32 v50, $0x1;
	_ =	sdelay $0x4  }
0xc6: {  	[tilespmem:s22], [sflag:$0x3] =	stream.indirect_vreg.gather [hbm4b:s4+s2], $0x80, v0, vm0, $0xb8;
	[tilespmem:$0x2200] =	vst v63  }
0xc7: {  	_ =	swait.ge [sflag:s31], $0x800  }
0xc8: {  	[sflag:s31] =	ssyncset.done $0x0  }
0xc9: {  	s0 =	rddreg [dreg:$0x13];
	[sflag:s31] =	ssyncadd.s32 $0xFFFFF800  }
0xca: {  	[hbm4b:s0+s2] =	stream.linear.scatter [tilespmem:s23], [sflag:$0x8], $0x800, $0x38;
	[tilespmem:$0x2200] =	vst v63  }
0xcb: {  	_ =	swait.ge [sflag:s1], $0x800  }
0xcc: {  	[sflag:s1] =	ssyncset.done $0x0  }
0xcd: {  	[sflag:s1] =	ssyncadd.s32 $0xFFFFF800  }
0xce: {  	v51 =	vld [tilespmem:$0x130];
	_ =	sdelay $0x4  }
0xcf: {  	v0 =	vshra.s32 v51, $0x1;
	_ =	sdelay $0x4  }
0xd0: {  	[tilespmem:s23], [sflag:$0x4] =	stream.indirect_vreg.gather [hbm4b:s4+s2], $0x80, v0, vm0, $0xb8;
	[tilespmem:$0x2200] =	vst v63  }
0xd1: {  	_ =	swait.ge [sflag:s24], $0x800  }
0xd2: {  	[sflag:s24] =	ssyncset.done $0x0  }
0xd3: {  	s0 =	rddreg [dreg:$0x14];
	[sflag:s24] =	ssyncadd.s32 $0xFFFFF800  }
0xd4: {  	[hbm4b:s0+s2] =	stream.linear.scatter [tilespmem:s20], [sflag:$0x5], $0x800, $0x38;
	[tilespmem:$0x2200] =	vst v63  }
0xd5: {  	_ =	swait.ge [sflag:s25], $0x800  }
0xd6: {  	[sflag:s25] =	ssyncset.done $0x0  }
0xd7: {  	[sflag:s25] =	ssyncadd.s32 $0xFFFFF800  }
0xd8: {  	v52 =	vld [tilespmem:$0x140];
	_ =	sdelay $0x4  }
0xd9: {  	v0 =	vshra.s32 v52, $0x1;
	_ =	sdelay $0x4  }
0xda: {  	[tilespmem:s20], [sflag:$0x1] =	stream.indirect_vreg.gather [hbm4b:s4+s2], $0x80, v0, vm0, $0xb8;
	[tilespmem:$0x2200] =	vst v63  }
0xdb: {  	_ =	swait.ge [sflag:s26], $0x800  }
0xdc: {  	[sflag:s26] =	ssyncset.done $0x0  }
0xdd: {  	s0 =	rddreg [dreg:$0x15];
	[sflag:s26] =	ssyncadd.s32 $0xFFFFF800  }
0xde: {  	[hbm4b:s0+s2] =	stream.linear.scatter [tilespmem:s21], [sflag:$0x6], $0x800, $0x38;
	[tilespmem:$0x2200] =	vst v63  }
0xdf: {  	_ =	swait.ge [sflag:s28], $0x800  }
0xe0: {  	[sflag:s28] =	ssyncset.done $0x0  }
0xe1: {  	[sflag:s28] =	ssyncadd.s32 $0xFFFFF800  }
0xe2: {  	v53 =	vld [tilespmem:$0x150];
	_ =	sdelay $0x4  }
0xe3: {  	v0 =	vshra.s32 v53, $0x1;
	_ =	sdelay $0x4  }
0xe4: {  	[tilespmem:s21], [sflag:$0x2] =	stream.indirect_vreg.gather [hbm4b:s4+s2], $0x80, v0, vm0, $0xb8;
	[tilespmem:$0x2200] =	vst v63  }
0xe5: {  	_ =	swait.ge [sflag:s29], $0x800  }
0xe6: {  	[sflag:s29] =	ssyncset.done $0x0  }
0xe7: {  	s0 =	rddreg [dreg:$0x16];
	[sflag:s29] =	ssyncadd.s32 $0xFFFFF800  }
0xe8: {  	[hbm4b:s0+s2] =	stream.linear.scatter [tilespmem:s22], [sflag:$0x7], $0x800, $0x38;
	[tilespmem:$0x2200] =	vst v63  }
0xe9: {  	_ =	swait.ge [sflag:s30], $0x800  }
0xea: {  	[sflag:s30] =	ssyncset.done $0x0  }
0xeb: {  	[sflag:s30] =	ssyncadd.s32 $0xFFFFF800  }
0xec: {  	v54 =	vld [tilespmem:$0x160];
	_ =	sdelay $0x4  }
0xed: {  	v0 =	vshra.s32 v54, $0x1;
	_ =	sdelay $0x4  }
0xee: {  	[tilespmem:s22], [sflag:$0x3] =	stream.indirect_vreg.gather [hbm4b:s4+s2], $0x80, v0, vm0, $0xb8;
	[tilespmem:$0x2200] =	vst v63  }
0xef: {  	_ =	swait.ge [sflag:s31], $0x800  }
0xf0: {  	[sflag:s31] =	ssyncset.done $0x0  }
0xf1: {  	[sflag:s31] =	ssyncadd.s32 $0xFFFFF800  }
0xf2: {  	[hbm4b:s5+s2] =	stream.linear.scatter [tilespmem:s23], [sflag:$0x8], $0x800, $0x38;
	[tilespmem:$0x2200] =	vst v63  }
0xf3: {  	_ =	swait.ge [sflag:s1], $0x800  }
0xf4: {  	[sflag:s1] =	ssyncset.done $0x0  }
0xf5: {  	[sflag:s1] =	ssyncadd.s32 $0xFFFFF800  }
0xf6: {  	v55 =	vld [tilespmem:$0x170];
	_ =	sdelay $0x4  }
0xf7: {  	v0 =	vshra.s32 v55, $0x1;
	_ =	sdelay $0x4  }
0xf8: {  	[tilespmem:s23], [sflag:$0x4] =	stream.indirect_vreg.gather [hbm4b:s4+s2], $0x80, v0, vm0, $0xb8;
	[tilespmem:$0x2200] =	vst v63  }
0xf9: {  	_ =	swait.ge [sflag:s24], $0x800  }
0xfa: {  	[sflag:s24] =	ssyncset.done $0x0  }
0xfb: {  	[sflag:s24] =	ssyncadd.s32 $0xFFFFF800  }
0xfc: {  	[hbm4b:s6+s2] =	stream.linear.scatter [tilespmem:s20], [sflag:$0x5], $0x800, $0x38;
	[tilespmem:$0x2200] =	vst v63  }
0xfd: {  	_ =	swait.ge [sflag:s25], $0x800  }
0xfe: {  	[sflag:s25] =	ssyncset.done $0x0  }
0xff: {  	[sflag:s25] =	ssyncadd.s32 $0xFFFFF800  }
0x100: {  	v56 =	vld [tilespmem:$0x180];
	_ =	sdelay $0x4  }
0x101: {  	v0 =	vshra.s32 v56, $0x1;
	_ =	sdelay $0x4  }
0x102: {  	[tilespmem:s20], [sflag:$0x1] =	stream.indirect_vreg.gather [hbm4b:s4+s2], $0x80, v0, vm0, $0xb8;
	[tilespmem:$0x2200] =	vst v63  }
0x103: {  	_ =	swait.ge [sflag:s26], $0x800  }
0x104: {  	[sflag:s26] =	ssyncset.done $0x0  }
0x105: {  	[sflag:s26] =	ssyncadd.s32 $0xFFFFF800  }
0x106: {  	[hbm4b:s7+s2] =	stream.linear.scatter [tilespmem:s21], [sflag:$0x6], $0x800, $0x38;
	[tilespmem:$0x2200] =	vst v63  }
0x107: {  	_ =	swait.ge [sflag:s28], $0x800  }
0x108: {  	[sflag:s28] =	ssyncset.done $0x0  }
0x109: {  	[sflag:s28] =	ssyncadd.s32 $0xFFFFF800  }
0x10a: {  	v57 =	vld [tilespmem:$0x190];
	_ =	sdelay $0x4  }
0x10b: {  	v0 =	vshra.s32 v57, $0x1;
	_ =	sdelay $0x4  }
0x10c: {  	[tilespmem:s21], [sflag:$0x2] =	stream.indirect_vreg.gather [hbm4b:s4+s2], $0x80, v0, vm0, $0xb8;
	[tilespmem:$0x2200] =	vst v63  }
0x10d: {  	_ =	swait.ge [sflag:s29], $0x800  }
0x10e: {  	[sflag:s29] =	ssyncset.done $0x0  }
0x10f: {  	[sflag:s29] =	ssyncadd.s32 $0xFFFFF800  }
0x110: {  	[hbm4b:s8+s2] =	stream.linear.scatter [tilespmem:s22], [sflag:$0x7], $0x800, $0x38;
	[tilespmem:$0x2200] =	vst v63  }
0x111: {  	_ =	swait.ge [sflag:s30], $0x800  }
0x112: {  	[sflag:s30] =	ssyncset.done $0x0  }
0x113: {  	[sflag:s30] =	ssyncadd.s32 $0xFFFFF800  }
0x114: {  	v58 =	vld [tilespmem:$0x1A0];
	_ =	sdelay $0x4  }
0x115: {  	v0 =	vshra.s32 v58, $0x1;
	_ =	sdelay $0x4  }
0x116: {  	[tilespmem:s22], [sflag:$0x3] =	stream.indirect_vreg.gather [hbm4b:s4+s2], $0x80, v0, vm0, $0xb8;
	[tilespmem:$0x2200] =	vst v63  }
0x117: {  	_ =	swait.ge [sflag:s31], $0x800  }
0x118: {  	[sflag:s31] =	ssyncset.done $0x0  }
0x119: {  	[sflag:s31] =	ssyncadd.s32 $0xFFFFF800  }
0x11a: {  	[hbm4b:s9+s2] =	stream.linear.scatter [tilespmem:s23], [sflag:$0x8], $0x800, $0x38;
	[tilespmem:$0x2200] =	vst v63  }
0x11b: {  	_ =	swait.ge [sflag:s1], $0x800  }
0x11c: {  	[sflag:s1] =	ssyncset.done $0x0  }
0x11d: {  	[sflag:s1] =	ssyncadd.s32 $0xFFFFF800  }
0x11e: {  	v59 =	vld [tilespmem:$0x1B0];
	_ =	sdelay $0x4  }
0x11f: {  	v0 =	vshra.s32 v59, $0x1;
	_ =	sdelay $0x4  }
0x120: {  	[tilespmem:s23], [sflag:$0x4] =	stream.indirect_vreg.gather [hbm4b:s4+s2], $0x80, v0, vm0, $0xb8;
	[tilespmem:$0x2200] =	vst v63  }
0x121: {  	_ =	swait.ge [sflag:s24], $0x800  }
0x122: {  	[sflag:s24] =	ssyncset.done $0x0  }
0x123: {  	[sflag:s24] =	ssyncadd.s32 $0xFFFFF800  }
0x124: {  	[hbm4b:s10+s2] =	stream.linear.scatter [tilespmem:s20], [sflag:$0x5], $0x800, $0x38;
	[tilespmem:$0x2200] =	vst v63  }
0x125: {  	_ =	swait.ge [sflag:s25], $0x800  }
0x126: {  	[sflag:s25] =	ssyncset.done $0x0  }
0x127: {  	[sflag:s25] =	ssyncadd.s32 $0xFFFFF800  }
0x128: {  	v60 =	vld [tilespmem:$0x1C0];
	_ =	sdelay $0x4  }
0x129: {  	v0 =	vshra.s32 v60, $0x1;
	_ =	sdelay $0x4  }
0x12a: {  	[tilespmem:s20], [sflag:$0x1] =	stream.indirect_vreg.gather [hbm4b:s4+s2], $0x80, v0, vm0, $0xb8;
	[tilespmem:$0x2200] =	vst v63  }
0x12b: {  	_ =	swait.ge [sflag:s26], $0x800  }
0x12c: {  	[sflag:s26] =	ssyncset.done $0x0  }
0x12d: {  	[sflag:s26] =	ssyncadd.s32 $0xFFFFF800  }
0x12e: {  	[hbm4b:s11+s2] =	stream.linear.scatter [tilespmem:s21], [sflag:$0x6], $0x800, $0x38;
	[tilespmem:$0x2200] =	vst v63  }
0x12f: {  	_ =	swait.ge [sflag:s28], $0x800  }
0x130: {  	[sflag:s28] =	ssyncset.done $0x0  }
0x131: {  	[sflag:s28] =	ssyncadd.s32 $0xFFFFF800  }
0x132: {  	v61 =	vld [tilespmem:$0x1D0];
	_ =	sdelay $0x4  }
0x133: {  	v0 =	vshra.s32 v61, $0x1;
	_ =	sdelay $0x4  }
0x134: {  	[tilespmem:s21], [sflag:$0x2] =	stream.indirect_vreg.gather [hbm4b:s4+s2], $0x80, v0, vm0, $0xb8;
	[tilespmem:$0x2200] =	vst v63  }
0x135: {  	_ =	swait.ge [sflag:s29], $0x800  }
0x136: {  	[sflag:s29] =	ssyncset.done $0x0  }
0x137: {  	[sflag:s29] =	ssyncadd.s32 $0xFFFFF800  }
0x138: {  	[hbm4b:s12+s2] =	stream.linear.scatter [tilespmem:s22], [sflag:$0x7], $0x800, $0x38;
	[tilespmem:$0x2200] =	vst v63  }
0x139: {  	_ =	swait.ge [sflag:s30], $0x800  }
0x13a: {  	[sflag:s30] =	ssyncset.done $0x0  }
0x13b: {  	[sflag:s30] =	ssyncadd.s32 $0xFFFFF800  }
0x13c: {  	v62 =	vld [tilespmem:$0x1E0];
	_ =	sdelay $0x4  }
0x13d: {  	v0 =	vshra.s32 v62, $0x1;
	_ =	sdelay $0x4  }
0x13e: {  	[tilespmem:s22], [sflag:$0x3] =	stream.indirect_vreg.gather [hbm4b:s4+s2], $0x80, v0, vm0, $0xb8;
	[tilespmem:$0x2200] =	vst v63  }
0x13f: {  	_ =	swait.ge [sflag:s31], $0x800  }
0x140: {  	[sflag:s31] =	ssyncset.done $0x0  }
0x141: {  	[sflag:s31] =	ssyncadd.s32 $0xFFFFF800  }
0x142: {  	[hbm4b:s13+s2] =	stream.linear.scatter [tilespmem:s23], [sflag:$0x8], $0x800, $0x38;
	[tilespmem:$0x2200] =	vst v63  }
0x143: {  	_ =	swait.ge [sflag:s1], $0x800  }
0x144: {  	[sflag:s1] =	ssyncset.done $0x0  }
0x145: {  	[sflag:s1] =	ssyncadd.s32 $0xFFFFF800  }
0x146: {  	v63 =	vld [tilespmem:$0x1F0];
	_ =	sdelay $0x4  }
0x147: {  	v0 =	vshra.s32 v63, $0x1;
	_ =	sdelay $0x4  }
0x148: {  	[tilespmem:s23], [sflag:$0x4] =	stream.indirect_vreg.gather [hbm4b:s4+s2], $0x80, v0, vm0, $0xb8;
	[tilespmem:$0x2200] =	vst v63  }
0x149: {  	_ =	swait.ge [sflag:s24], $0x800  }
0x14a: {  	[sflag:s24] =	ssyncset.done $0x0  }
0x14b: {  	[sflag:s24] =	ssyncadd.s32 $0xFFFFF800  }
0x14c: {  	[hbm4b:s14+s2] =	stream.linear.scatter [tilespmem:s20], [sflag:$0x5], $0x800, $0x38;
	[tilespmem:$0x2200] =	vst v63  }
0x14d: {  	_ =	swait.ge [sflag:s26], $0x800  }
0x14e: {  	[sflag:s26] =	ssyncset.done $0x0  }
0x14f: {  	[sflag:s26] =	ssyncadd.s32 $0xFFFFF800  }
0x150: {  	[hbm4b:s15+s2] =	stream.linear.scatter [tilespmem:s21], [sflag:$0x6], $0x800, $0x38;
	[tilespmem:$0x2200] =	vst v63  }
0x151: {  	_ =	swait.ge [sflag:s29], $0x800  }
0x152: {  	[sflag:s29] =	ssyncset.done $0x0  }
0x153: {  	[sflag:s29] =	ssyncadd.s32 $0xFFFFF800  }
0x154: {  	[hbm4b:s16+s2] =	stream.linear.scatter [tilespmem:s22], [sflag:$0x7], $0x800, $0x38;
	[tilespmem:$0x2200] =	vst v63  }
0x155: {  	_ =	swait.ge [sflag:s31], $0x800  }
0x156: {  	[sflag:s31] =	ssyncset.done $0x0  }
0x157: {  	[sflag:s31] =	ssyncadd.s32 $0xFFFFF800  }
0x158: {  	[hbm4b:s17+s2] =	stream.linear.scatter [tilespmem:s23], [sflag:$0x8], $0x800, $0x38;
	[tilespmem:$0x2200] =	vst v63  }
0x159: {  	_ =	swait.ge [sflag:s25], $0x800  }
0x15a: {  	[sflag:s25] =	ssyncset.done $0x0  }
0x15b: {  	[sflag:s25] =	ssyncadd.s32 $0xFFFFF800  }
0x15c: {  	_ =	swait.ge [sflag:s28], $0x800  }
0x15d: {  	[sflag:s28] =	ssyncset.done $0x0  }
0x15e: {  	[sflag:s28] =	ssyncadd.s32 $0xFFFFF800  }
0x15f: {  	p0 =	sne.s32 s18, $0x1;
	_ =	swait.ge [sflag:s30], $0x800  }
.Ltmp0:
0x160: {  	[sflag:s30] =	ssyncset.done $0x0;
	(pc) =	sbr.rel @p0 .LBB2_1-.Ltmp0, $4  }
0x161: {  	[sflag:s30] =	ssyncadd.s32 $0xFFFFF800  }
0x162: {  	_ =	swait.ge [sflag:s1], $0x800  }
0x163: {  	[sflag:s1] =	ssyncset.done $0x0  }
0x164: {  	s18 =	sadd.s32 $0xFFFFFFFF, s18;
	[sflag:s1] =	ssyncadd.s32 $0xFFFFF800  }
0x165: {  	_ =	sfence.sel $0x180000  }
0x166: {  	[bflag:$0x0] =	sbarrier.arrive $0xFFFF  }
0x167: {  	_ =	strace $0x90000047  }
0x168: {  	s0 =	stileid.u32;
	[bflag:$0x2] =	sbarrier.arrive $0xFFFF  }
0x169: {  	p0 =	sne.s32 s0, $0x0;
	s0 =	rddreg [dreg:$0x3]  }
0x16a: {  	s0 =	sadd.s32 @!p0 $0x100000, s0  }
0x16b: {  	[sflag:s0] =	ssyncadd.tile.s32 @!p0 $0x1;
	_ =	shalt  }
.Lfunc_end2:
_tile_overlayer_lowered:
.L_overlay_start_2:
0x16c: {  	(tag) =	ssettag $0x2  }
0x16d: {  	s0 =	rddreg [dreg:$0x0];
	s2 =	stileid.u32  }
0x16e: {  	s1 =	rddreg [dreg:$0x1];
	p0 =	sne.s32 s2, $0x0  }
0x16f: {  	s3 =	rddreg [dreg:$0x2];
	[bflag:$0x3] =	sbarrier.arrive $0xFFFF;
	s2 =	simm.s32 @!p0 $0x1C09  }
0x170: {  	[timem:s3], [sflag:s2] =	dma.local @!p0 [hbm:s0], s1  }
0x171: {  	s0 =	simm.s32 @!p0 $0x9  }
0x172: {  	_ =	swait.ge @!p0 [sflag:s0], s1  }
0x173: {  	s1 =	ssub.s32 @!p0 $0x0, s1;
	[sflag:s0] =	ssyncset.done @!p0 $0x0  }
0x174: {  	[sflag:s0] =	ssyncadd.s32 @!p0 s1  }
0x175: {  	[bflag:$0x3] =	sbarrier.arrive $0xFFFF  }
0x176: {  	_ =	shalt  }

</sc_bundles>
